<compile_context>
chip_gen: v7x
topology: tpu7x:2x2x1
jax: 0.10.2.dev20260603
libtpu: 0.0.44.dev20260713+nightly
codegen_flags: <defaults>
</compile_context>

<pallas_src>
import functools

import jax
import jax.numpy as jnp
from jax import lax
from jax.experimental import pallas as pl
from jax.experimental.pallas import tpu as pltpu
from jax.experimental.pallas import tpu_sc as plsc

DIM = 128
N_EDGES = 320000
NUM_CORES = 2
NUM_SUBCORES = 16
LANES = 16
NUM_WORKERS = NUM_CORES * NUM_SUBCORES
ROWS_PER_WORKER = N_EDGES // NUM_WORKERS
CHUNK = 80
NUM_CHUNKS = ROWS_PER_WORKER // CHUNK
NBUF = 5
GROUPS = NUM_CHUNKS // NBUF


def _sc_gather(positions, pe):
    mesh = plsc.VectorSubcoreMesh(core_axis_name="c", subcore_axis_name="s")

    @functools.partial(
        pl.kernel,
        out_type=jax.ShapeDtypeStruct((N_EDGES, DIM), jnp.float32),
        mesh=mesh,
        scratch_types=[
            pltpu.VMEM((ROWS_PER_WORKER,), jnp.float32),
            pltpu.VMEM((ROWS_PER_WORKER,), jnp.int32),
            pltpu.VMEM_SHARED((1000, DIM), jnp.float32),
            pltpu.VMEM((NBUF, CHUNK, DIM), jnp.float32),
            pltpu.SemaphoreType.DMA((NBUF,)),
            pltpu.SemaphoreType.DMA((NBUF,)),
        ],
    )
    def run(pos_hbm, pe_hbm, out_hbm, pos_v, idx_v, table_sh, rows, gsem, wsem):
        wid = lax.axis_index("s") * NUM_CORES + lax.axis_index("c")
        base = wid * ROWS_PER_WORKER

        @pl.when(lax.axis_index("s") == 0)
        def _():
            pltpu.sync_copy(pe_hbm.at[pl.ds(0, 1000)], table_sh)

        pltpu.sync_copy(pos_hbm.at[pl.ds(base, ROWS_PER_WORKER)], pos_v)

        @pl.loop(0, ROWS_PER_WORKER, step=LANES)
        def _(i):
            p = pos_v[pl.ds(i, LANES)]
            v = jnp.minimum(jnp.maximum((p * 999.0).astype(jnp.int32), 0), 999)
            idx_v[pl.ds(i, LANES)] = v

        plsc.subcore_barrier()

        def fire_gathers(g):
            return [
                pltpu.async_copy(
                    table_sh.at[idx_v.at[pl.ds((g * NBUF + b) * CHUNK, CHUNK)]],
                    rows.at[b],
                    gsem.at[b],
                )
                for b in range(NBUF)
            ]

        def drain_and_write(g, gathers):
            for b in range(NBUF):
                gathers[b].wait()
                pltpu.async_copy(
                    rows.at[b],
                    out_hbm.at[pl.ds(base + (g * NBUF + b) * CHUNK, CHUNK)],
                    wsem.at[b],
                )

        def drain_writes():
            for b in range(NBUF):
                pltpu.make_async_copy(
                    rows.at[b], out_hbm.at[pl.ds(base, CHUNK)], wsem.at[b]
                ).wait()

        drain_and_write(0, fire_gathers(0))

        @pl.loop(1, GROUPS)
        def _(g):
            drain_writes()
            drain_and_write(g, fire_gathers(g))

        drain_writes()

    return run(positions, pe)


def kernel(positions, pe):
    return _sc_gather(positions, pe)

# --- scband reference (transcript-rebuilt; emitter-appended) ---
"""Pipeline reference for scband-sinusoidal-positional-encoding-28381143892395 (READ-ONLY COPY).

The authoritative reference and input builder live on the scoring server;
editing this copy changes nothing except your own understanding.
"""

import jax, jax.numpy as jnp
import numpy as np
import math

DIM = 128
MAX_LEN = 10000
N_EDGES = 320000


def _build_pe(dim: int, max_len: int) -> jnp.ndarray:
    pe = np.zeros((max_len, dim), dtype=np.float32)
    position = np.arange(0, max_len, dtype=np.float32)[:, None]
    div_term = np.exp(np.arange(0, dim, 2, dtype=np.float32) * (-math.log(10000.0) / dim))
    pe[:, 0::2] = np.sin(position * div_term)
    if dim > 1:
        pe[:, 1::2] = np.cos(position * div_term[: dim // 2])
    return jnp.asarray(pe)


def setup_inputs(seed: int = 0) -> dict:
    key = jax.random.key(seed)
    positions = jax.random.uniform(key, (N_EDGES,), dtype=jnp.float32)
    pe = _build_pe(DIM, MAX_LEN)
    return {"positions": positions, "pe": pe}


def reference(positions, pe):
    indices = jnp.clip((positions * 999.0).astype(jnp.int32), 0, 999)
    return jnp.take(pe, indices, axis=0)

if __name__ == "__main__":
    import jax
    _d = setup_inputs()
    print(jax.jit(kernel)(*tuple(_d.values())))

</pallas_src>

<mosaic_0001>
#map = affine_map<(d0, d1) -> (0)>
#map1 = affine_map<(d0, d1) -> (0, 0)>
module attributes {stable_mosaic.version = 14 : i64} {
  func.func @run(%arg0: i32, %arg1: i32, %arg2: memref<320000xf32, #tpu.memory_space<hbm>>, %arg3: memref<10000x128xf32, #tpu.memory_space<hbm>>, %arg4: memref<320000x128xf32, #tpu.memory_space<hbm>>, %arg5: memref<10000xf32, #tpu.memory_space<vmem>>, %arg6: memref<10000xi32, #tpu.memory_space<vmem>>, %arg7: memref<1000x128xf32, #tpu.memory_space<vmem_shared>>, %arg8: memref<5x80x128xf32, #tpu.memory_space<vmem>>, %arg9: memref<5x!tpu.dma_semaphore, #tpu.memory_space<semaphore_mem>>, %arg10: memref<5x!tpu.dma_semaphore, #tpu.memory_space<semaphore_mem>>) attributes {dimension_semantics = [#tpu.dimension_semantics<core_parallel>, #tpu.dimension_semantics<subcore_parallel>], iteration_bounds = array<i64: 2, 16>, scalar_prefetch = 0 : i64, scratch_operands = 6 : i64, tpu.core_type = #tpu.core_type<sc_vector_subcore>, window_params = [{transform_indices = #map}, {transform_indices = #map1}, {transform_indices = #map1}]} {
    %mul3A = arith.constant 2 : i32
    %mul3A_0 = arith.muli %arg1, %mul3A : i32
    %add3A = arith.addi %mul3A_0, %arg0 : i32
    %mul3A_1 = arith.constant 10000 : i32
    %mul3A_2 = arith.muli %add3A, %mul3A_1 : i32
    %eq3A = arith.constant 0 : i32
    %eq3A_3 = arith.cmpi eq, %arg1, %eq3A : i32
    %convert_element_type3A = arith.extui %eq3A_3 : i1 to i32
    %cond3A = arith.constant 0 : i32
    %cond3A_4 = arith.cmpi ne, %convert_element_type3A, %cond3A : i32
    scf.if %cond3A_4 {
      "tpu.region"() ({
        %run_scoped3A = tpu.sem_alloc : memref<!tpu.dma_semaphore, #tpu.memory_space<semaphore_mem>>
        %dma_start3A_312 = arith.constant 0 : i32
        %dma_start3A_313 = arith.constant 0 : i32
        %dma_start3A_314 = tpu.memref_slice %arg3[%dma_start3A_312, %dma_start3A_313] : memref<10000x128xf32, #tpu.memory_space<hbm>> -> memref<1000x128xf32, #tpu.memory_space<hbm>>
        tpu.enqueue_dma source(%dma_start3A_314 : memref<1000x128xf32, #tpu.memory_space<hbm>>) target(%arg7 : memref<1000x128xf32, #tpu.memory_space<vmem_shared>>) target_semaphore(%run_scoped3A : memref<!tpu.dma_semaphore, #tpu.memory_space<semaphore_mem>>)
        %dma_wait3A_315 = arith.constant 0 : i32
        %dma_wait3A_316 = arith.constant 0 : i32
        %dma_wait3A_317 = tpu.memref_slice %arg3[%dma_wait3A_315, %dma_wait3A_316] : memref<10000x128xf32, #tpu.memory_space<hbm>> -> memref<1000x128xf32, #tpu.memory_space<hbm>>
        tpu.wait_dma2 semaphore(%run_scoped3A : memref<!tpu.dma_semaphore, #tpu.memory_space<semaphore_mem>>) src(%dma_wait3A_317 : memref<1000x128xf32, #tpu.memory_space<hbm>>) dst(%arg7 : memref<1000x128xf32, #tpu.memory_space<vmem_shared>>)
        tpu.yield
      }) : () -> ()
    } else {
    }
    "tpu.region"() ({
      %run_scoped3A = tpu.sem_alloc : memref<!tpu.dma_semaphore, #tpu.memory_space<semaphore_mem>>
      %dma_start3A_312 = tpu.memref_slice %arg2[%mul3A_2] : memref<320000xf32, #tpu.memory_space<hbm>> -> memref<10000xf32, #tpu.memory_space<hbm>>
      %dma_start3A_313 = tpu.memref_slice %arg2[%mul3A_2] : memref<320000xf32, #tpu.memory_space<hbm>> -> memref<10000xf32, #tpu.memory_space<hbm>>
      tpu.enqueue_dma source(%dma_start3A_313 : memref<10000xf32, #tpu.memory_space<hbm>>) target(%arg5 : memref<10000xf32, #tpu.memory_space<vmem>>) target_semaphore(%run_scoped3A : memref<!tpu.dma_semaphore, #tpu.memory_space<semaphore_mem>>)
      %dma_wait3A_314 = tpu.memref_slice %arg2[%mul3A_2] : memref<320000xf32, #tpu.memory_space<hbm>> -> memref<10000xf32, #tpu.memory_space<hbm>>
      %dma_wait3A_315 = tpu.memref_slice %arg2[%mul3A_2] : memref<320000xf32, #tpu.memory_space<hbm>> -> memref<10000xf32, #tpu.memory_space<hbm>>
      tpu.wait_dma2 semaphore(%run_scoped3A : memref<!tpu.dma_semaphore, #tpu.memory_space<semaphore_mem>>) src(%dma_wait3A_315 : memref<10000xf32, #tpu.memory_space<hbm>>) dst(%arg5 : memref<10000xf32, #tpu.memory_space<vmem>>)
      tpu.yield
    }) : () -> ()
    %scan3A = arith.constant 0 : i32
    %scan3A_5 = arith.constant 625 : i32
    %scan3A_6 = arith.addi %scan3A, %scan3A_5 : i32
    %scan3A_7 = arith.constant 1 : i32
    scf.for %scan3A_312 = %scan3A to %scan3A_6 step %scan3A_7  : i32 {
      %mul3A_313 = arith.constant 16 : i32
      %mul3A_314 = arith.muli %scan3A_312, %mul3A_313 : i32
      %add3A_315 = arith.constant 0 : i32
      %add3A_316 = arith.addi %add3A_315, %mul3A_314 : i32
      %get3A = arith.index_cast %add3A_316 : i32 to index
      %get3A_317 = tpu.vector_load %arg5[%get3A] {strides = array<i32>} : memref<10000xf32, #tpu.memory_space<vmem>>, vector<16xf32>,
      %get3A_318 = vector.shape_cast %get3A_317 : vector<16xf32> to vector<16xf32>
      %mul3A_319 = arith.constant 9.990000e+02 : f32
      %mul3A_320 = vector.broadcast %mul3A_319 : f32 to vector<16xf32>
      %mul3A_321 = arith.mulf %get3A_318, %mul3A_320 : vector<16xf32>
      %convert_element_type3A_322 = arith.fptosi %mul3A_321 : vector<16xf32> to vector<16xi32>
      %max3A = arith.constant 0 : i32
      %max3A_323 = vector.broadcast %max3A : i32 to vector<16xi32>
      %max3A_324 = arith.maxsi %convert_element_type3A_322, %max3A_323 : vector<16xi32>
      %min3A = arith.constant 999 : i32
      %min3A_325 = vector.broadcast %min3A : i32 to vector<16xi32>
      %min3A_326 = arith.minsi %max3A_324, %min3A_325 : vector<16xi32>
      %swap3A = arith.index_cast %add3A_316 : i32 to index
      %swap3A_327 = tpu.vector_load %arg6[%swap3A] {strides = array<i32>} : memref<10000xi32, #tpu.memory_space<vmem>>, vector<16xi32>,
      %swap3A_328 = vector.shape_cast %swap3A_327 : vector<16xi32> to vector<16xi32>
      %swap3A_329 = vector.shape_cast %min3A_326 : vector<16xi32> to vector<16xi32>
      tpu.vector_store %arg6[%swap3A], %swap3A_329 {strides = array<i32>} : memref<10000xi32, #tpu.memory_space<vmem>>, vector<16xi32>,
    }
    %scan3A_8 = arith.constant 625 : i32
    %barrier3A = arith.constant 0 : index
    tpu.barrier barrier_id(%barrier3A)
    %dma_start3A = arith.constant 0 : i32
    %dma_start3A_9 = arith.constant 0 : i32
    %dma_start3A_10 = arith.constant 0 : i32
    %dma_start3A_11 = arith.constant 0 : i32
    %dma_start3A_12 = tpu.memref_slice %arg8[%dma_start3A, %dma_start3A_10, %dma_start3A_11] : memref<5x80x128xf32, #tpu.memory_space<vmem>> -> memref<1x80x128xf32, #tpu.memory_space<vmem>>
    %dma_start3A_13 = tpu.memref_squeeze %dma_start3A_12 : memref<1x80x128xf32, #tpu.memory_space<vmem>> -> memref<80x128xf32, #tpu.memory_space<vmem>>
    %dma_start3A_14 = arith.constant 0 : i32
    %dma_start3A_15 = tpu.memref_slice %arg6[%dma_start3A_14] : memref<10000xi32, #tpu.memory_space<vmem>> -> memref<80xi32, #tpu.memory_space<vmem>>
    %dma_start3A_16 = arith.constant 0 : i32
    %dma_start3A_17 = arith.constant 0 : i32
    %dma_start3A_18 = tpu.memref_slice %arg7[%dma_start3A_16, %dma_start3A_17] : memref<1000x128xf32, #tpu.memory_space<vmem_shared>> -> memref<1000x128xf32, #tpu.memory_space<vmem_shared>>
    %dma_start3A_19 = tpu.memref_slice %arg9[%dma_start3A_9] : memref<5x!tpu.dma_semaphore, #tpu.memory_space<semaphore_mem>> -> memref<1x!tpu.dma_semaphore, #tpu.memory_space<semaphore_mem>>
    %dma_start3A_20 = tpu.memref_squeeze %dma_start3A_19 : memref<1x!tpu.dma_semaphore, #tpu.memory_space<semaphore_mem>> -> memref<!tpu.dma_semaphore, #tpu.memory_space<semaphore_mem>>
    tpu.enqueue_indirect_dma source(%dma_start3A_18 : memref<1000x128xf32, #tpu.memory_space<vmem_shared>>) target(%dma_start3A_13 : memref<80x128xf32, #tpu.memory_space<vmem>>) offsets(%dma_start3A_15 : memref<80xi32, #tpu.memory_space<vmem>>) semaphore(%dma_start3A_20 : memref<!tpu.dma_semaphore, #tpu.memory_space<semaphore_mem>>)
    %dma_start3A_21 = arith.constant 1 : i32
    %dma_start3A_22 = arith.constant 1 : i32
    %dma_start3A_23 = arith.constant 0 : i32
    %dma_start3A_24 = arith.constant 0 : i32
    %dma_start3A_25 = tpu.memref_slice %arg8[%dma_start3A_21, %dma_start3A_23, %dma_start3A_24] : memref<5x80x128xf32, #tpu.memory_space<vmem>> -> memref<1x80x128xf32, #tpu.memory_space<vmem>>
    %dma_start3A_26 = tpu.memref_squeeze %dma_start3A_25 : memref<1x80x128xf32, #tpu.memory_space<vmem>> -> memref<80x128xf32, #tpu.memory_space<vmem>>
    %dma_start3A_27 = arith.constant 80 : i32
    %dma_start3A_28 = tpu.memref_slice %arg6[%dma_start3A_27] : memref<10000xi32, #tpu.memory_space<vmem>> -> memref<80xi32, #tpu.memory_space<vmem>>
    %dma_start3A_29 = arith.constant 0 : i32
    %dma_start3A_30 = arith.constant 0 : i32
    %dma_start3A_31 = tpu.memref_slice %arg7[%dma_start3A_29, %dma_start3A_30] : memref<1000x128xf32, #tpu.memory_space<vmem_shared>> -> memref<1000x128xf32, #tpu.memory_space<vmem_shared>>
    %dma_start3A_32 = tpu.memref_slice %arg9[%dma_start3A_22] : memref<5x!tpu.dma_semaphore, #tpu.memory_space<semaphore_mem>> -> memref<1x!tpu.dma_semaphore, #tpu.memory_space<semaphore_mem>>
    %dma_start3A_33 = tpu.memref_squeeze %dma_start3A_32 : memref<1x!tpu.dma_semaphore, #tpu.memory_space<semaphore_mem>> -> memref<!tpu.dma_semaphore, #tpu.memory_space<semaphore_mem>>
    tpu.enqueue_indirect_dma source(%dma_start3A_31 : memref<1000x128xf32, #tpu.memory_space<vmem_shared>>) target(%dma_start3A_26 : memref<80x128xf32, #tpu.memory_space<vmem>>) offsets(%dma_start3A_28 : memref<80xi32, #tpu.memory_space<vmem>>) semaphore(%dma_start3A_33 : memref<!tpu.dma_semaphore, #tpu.memory_space<semaphore_mem>>)
    %dma_start3A_34 = arith.constant 2 : i32
    %dma_start3A_35 = arith.constant 2 : i32
    %dma_start3A_36 = arith.constant 0 : i32
    %dma_start3A_37 = arith.constant 0 : i32
    %dma_start3A_38 = tpu.memref_slice %arg8[%dma_start3A_34, %dma_start3A_36, %dma_start3A_37] : memref<5x80x128xf32, #tpu.memory_space<vmem>> -> memref<1x80x128xf32, #tpu.memory_space<vmem>>
    %dma_start3A_39 = tpu.memref_squeeze %dma_start3A_38 : memref<1x80x128xf32, #tpu.memory_space<vmem>> -> memref<80x128xf32, #tpu.memory_space<vmem>>
    %dma_start3A_40 = arith.constant 160 : i32
    %dma_start3A_41 = tpu.memref_slice %arg6[%dma_start3A_40] : memref<10000xi32, #tpu.memory_space<vmem>> -> memref<80xi32, #tpu.memory_space<vmem>>
    %dma_start3A_42 = arith.constant 0 : i32
    %dma_start3A_43 = arith.constant 0 : i32
    %dma_start3A_44 = tpu.memref_slice %arg7[%dma_start3A_42, %dma_start3A_43] : memref<1000x128xf32, #tpu.memory_space<vmem_shared>> -> memref<1000x128xf32, #tpu.memory_space<vmem_shared>>
    %dma_start3A_45 = tpu.memref_slice %arg9[%dma_start3A_35] : memref<5x!tpu.dma_semaphore, #tpu.memory_space<semaphore_mem>> -> memref<1x!tpu.dma_semaphore, #tpu.memory_space<semaphore_mem>>
    %dma_start3A_46 = tpu.memref_squeeze %dma_start3A_45 : memref<1x!tpu.dma_semaphore, #tpu.memory_space<semaphore_mem>> -> memref<!tpu.dma_semaphore, #tpu.memory_space<semaphore_mem>>
    tpu.enqueue_indirect_dma source(%dma_start3A_44 : memref<1000x128xf32, #tpu.memory_space<vmem_shared>>) target(%dma_start3A_39 : memref<80x128xf32, #tpu.memory_space<vmem>>) offsets(%dma_start3A_41 : memref<80xi32, #tpu.memory_space<vmem>>) semaphore(%dma_start3A_46 : memref<!tpu.dma_semaphore, #tpu.memory_space<semaphore_mem>>)
    %dma_start3A_47 = arith.constant 3 : i32
    %dma_start3A_48 = arith.constant 3 : i32
    %dma_start3A_49 = arith.constant 0 : i32
    %dma_start3A_50 = arith.constant 0 : i32
    %dma_start3A_51 = tpu.memref_slice %arg8[%dma_start3A_47, %dma_start3A_49, %dma_start3A_50] : memref<5x80x128xf32, #tpu.memory_space<vmem>> -> memref<1x80x128xf32, #tpu.memory_space<vmem>>
    %dma_start3A_52 = tpu.memref_squeeze %dma_start3A_51 : memref<1x80x128xf32, #tpu.memory_space<vmem>> -> memref<80x128xf32, #tpu.memory_space<vmem>>
    %dma_start3A_53 = arith.constant 240 : i32
    %dma_start3A_54 = tpu.memref_slice %arg6[%dma_start3A_53] : memref<10000xi32, #tpu.memory_space<vmem>> -> memref<80xi32, #tpu.memory_space<vmem>>
    %dma_start3A_55 = arith.constant 0 : i32
    %dma_start3A_56 = arith.constant 0 : i32
    %dma_start3A_57 = tpu.memref_slice %arg7[%dma_start3A_55, %dma_start3A_56] : memref<1000x128xf32, #tpu.memory_space<vmem_shared>> -> memref<1000x128xf32, #tpu.memory_space<vmem_shared>>
    %dma_start3A_58 = tpu.memref_slice %arg9[%dma_start3A_48] : memref<5x!tpu.dma_semaphore, #tpu.memory_space<semaphore_mem>> -> memref<1x!tpu.dma_semaphore, #tpu.memory_space<semaphore_mem>>
    %dma_start3A_59 = tpu.memref_squeeze %dma_start3A_58 : memref<1x!tpu.dma_semaphore, #tpu.memory_space<semaphore_mem>> -> memref<!tpu.dma_semaphore, #tpu.memory_space<semaphore_mem>>
    tpu.enqueue_indirect_dma source(%dma_start3A_57 : memref<1000x128xf32, #tpu.memory_space<vmem_shared>>) target(%dma_start3A_52 : memref<80x128xf32, #tpu.memory_space<vmem>>) offsets(%dma_start3A_54 : memref<80xi32, #tpu.memory_space<vmem>>) semaphore(%dma_start3A_59 : memref<!tpu.dma_semaphore, #tpu.memory_space<semaphore_mem>>)
    %dma_start3A_60 = arith.constant 4 : i32
    %dma_start3A_61 = arith.constant 4 : i32
    %dma_start3A_62 = arith.constant 0 : i32
    %dma_start3A_63 = arith.constant 0 : i32
    %dma_start3A_64 = tpu.memref_slice %arg8[%dma_start3A_60, %dma_start3A_62, %dma_start3A_63] : memref<5x80x128xf32, #tpu.memory_space<vmem>> -> memref<1x80x128xf32, #tpu.memory_space<vmem>>
    %dma_start3A_65 = tpu.memref_squeeze %dma_start3A_64 : memref<1x80x128xf32, #tpu.memory_space<vmem>> -> memref<80x128xf32, #tpu.memory_space<vmem>>
    %dma_start3A_66 = arith.constant 320 : i32
    %dma_start3A_67 = tpu.memref_slice %arg6[%dma_start3A_66] : memref<10000xi32, #tpu.memory_space<vmem>> -> memref<80xi32, #tpu.memory_space<vmem>>
    %dma_start3A_68 = arith.constant 0 : i32
    %dma_start3A_69 = arith.constant 0 : i32
    %dma_start3A_70 = tpu.memref_slice %arg7[%dma_start3A_68, %dma_start3A_69] : memref<1000x128xf32, #tpu.memory_space<vmem_shared>> -> memref<1000x128xf32, #tpu.memory_space<vmem_shared>>
    %dma_start3A_71 = tpu.memref_slice %arg9[%dma_start3A_61] : memref<5x!tpu.dma_semaphore, #tpu.memory_space<semaphore_mem>> -> memref<1x!tpu.dma_semaphore, #tpu.memory_space<semaphore_mem>>
    %dma_start3A_72 = tpu.memref_squeeze %dma_start3A_71 : memref<1x!tpu.dma_semaphore, #tpu.memory_space<semaphore_mem>> -> memref<!tpu.dma_semaphore, #tpu.memory_space<semaphore_mem>>
    tpu.enqueue_indirect_dma source(%dma_start3A_70 : memref<1000x128xf32, #tpu.memory_space<vmem_shared>>) target(%dma_start3A_65 : memref<80x128xf32, #tpu.memory_space<vmem>>) offsets(%dma_start3A_67 : memref<80xi32, #tpu.memory_space<vmem>>) semaphore(%dma_start3A_72 : memref<!tpu.dma_semaphore, #tpu.memory_space<semaphore_mem>>)
    %dma_wait3A = arith.constant 0 : i32
    %dma_wait3A_73 = arith.constant 0 : i32
    %dma_wait3A_74 = arith.constant 0 : i32
    %dma_wait3A_75 = arith.constant 0 : i32
    %dma_wait3A_76 = tpu.memref_slice %arg8[%dma_wait3A, %dma_wait3A_74, %dma_wait3A_75] : memref<5x80x128xf32, #tpu.memory_space<vmem>> -> memref<1x80x128xf32, #tpu.memory_space<vmem>>
    %dma_wait3A_77 = tpu.memref_squeeze %dma_wait3A_76 : memref<1x80x128xf32, #tpu.memory_space<vmem>> -> memref<80x128xf32, #tpu.memory_space<vmem>>
    %dma_wait3A_78 = arith.constant 0 : i32
    %dma_wait3A_79 = tpu.memref_slice %arg6[%dma_wait3A_78] : memref<10000xi32, #tpu.memory_space<vmem>> -> memref<80xi32, #tpu.memory_space<vmem>>
    %dma_wait3A_80 = arith.constant 0 : i32
    %dma_wait3A_81 = arith.constant 0 : i32
    %dma_wait3A_82 = tpu.memref_slice %arg7[%dma_wait3A_80, %dma_wait3A_81] : memref<1000x128xf32, #tpu.memory_space<vmem_shared>> -> memref<1000x128xf32, #tpu.memory_space<vmem_shared>>
    %dma_wait3A_83 = tpu.memref_slice %arg9[%dma_wait3A_73] : memref<5x!tpu.dma_semaphore, #tpu.memory_space<semaphore_mem>> -> memref<1x!tpu.dma_semaphore, #tpu.memory_space<semaphore_mem>>
    %dma_wait3A_84 = tpu.memref_squeeze %dma_wait3A_83 : memref<1x!tpu.dma_semaphore, #tpu.memory_space<semaphore_mem>> -> memref<!tpu.dma_semaphore, #tpu.memory_space<semaphore_mem>>
    tpu.wait_indirect_dma semaphore(%dma_wait3A_84 : memref<!tpu.dma_semaphore, #tpu.memory_space<semaphore_mem>>) src(%dma_wait3A_82 : memref<1000x128xf32, #tpu.memory_space<vmem_shared>>) dst(%dma_wait3A_77 : memref<80x128xf32, #tpu.memory_space<vmem>>)
    %add3A_85 = arith.constant 0 : i32
    %add3A_86 = arith.addi %mul3A_2, %add3A_85 : i32
    %dma_start3A_87 = arith.constant 0 : i32
    %dma_start3A_88 = arith.constant 0 : i32
    %dma_start3A_89 = arith.constant 0 : i32
    %dma_start3A_90 = arith.constant 0 : i32
    %dma_start3A_91 = tpu.memref_slice %arg8[%dma_start3A_87, %dma_start3A_89, %dma_start3A_90] : memref<5x80x128xf32, #tpu.memory_space<vmem>> -> memref<1x80x128xf32, #tpu.memory_space<vmem>>
    %dma_start3A_92 = tpu.memref_squeeze %dma_start3A_91 : memref<1x80x128xf32, #tpu.memory_space<vmem>> -> memref<80x128xf32, #tpu.memory_space<vmem>>
    %dma_start3A_93 = arith.constant 0 : i32
    %dma_start3A_94 = tpu.memref_slice %arg4[%add3A_86, %dma_start3A_93] : memref<320000x128xf32, #tpu.memory_space<hbm>> -> memref<80x128xf32, #tpu.memory_space<hbm>>
    %dma_start3A_95 = tpu.memref_slice %arg10[%dma_start3A_88] : memref<5x!tpu.dma_semaphore, #tpu.memory_space<semaphore_mem>> -> memref<1x!tpu.dma_semaphore, #tpu.memory_space<semaphore_mem>>
    %dma_start3A_96 = tpu.memref_squeeze %dma_start3A_95 : memref<1x!tpu.dma_semaphore, #tpu.memory_space<semaphore_mem>> -> memref<!tpu.dma_semaphore, #tpu.memory_space<semaphore_mem>>
    %dma_start3A_97 = arith.constant 0 : i32
    %dma_start3A_98 = tpu.memref_slice %arg4[%add3A_86, %dma_start3A_97] : memref<320000x128xf32, #tpu.memory_space<hbm>> -> memref<80x128xf32, #tpu.memory_space<hbm>>
    %dma_start3A_99 = arith.constant 0 : i32
    %dma_start3A_100 = arith.constant 0 : i32
    %dma_start3A_101 = tpu.memref_slice %arg8[%dma_start3A_87, %dma_start3A_99, %dma_start3A_100] : memref<5x80x128xf32, #tpu.memory_space<vmem>> -> memref<1x80x128xf32, #tpu.memory_space<vmem>>
    %dma_start3A_102 = tpu.memref_squeeze %dma_start3A_101 : memref<1x80x128xf32, #tpu.memory_space<vmem>> -> memref<80x128xf32, #tpu.memory_space<vmem>>
    tpu.enqueue_dma source(%dma_start3A_102 : memref<80x128xf32, #tpu.memory_space<vmem>>) target(%dma_start3A_98 : memref<80x128xf32, #tpu.memory_space<hbm>>) target_semaphore(%dma_start3A_96 : memref<!tpu.dma_semaphore, #tpu.memory_space<semaphore_mem>>)
    %dma_wait3A_103 = arith.constant 1 : i32
    %dma_wait3A_104 = arith.constant 1 : i32
    %dma_wait3A_105 = arith.constant 0 : i32
    %dma_wait3A_106 = arith.constant 0 : i32
    %dma_wait3A_107 = tpu.memref_slice %arg8[%dma_wait3A_103, %dma_wait3A_105, %dma_wait3A_106] : memref<5x80x128xf32, #tpu.memory_space<vmem>> -> memref<1x80x128xf32, #tpu.memory_space<vmem>>
    %dma_wait3A_108 = tpu.memref_squeeze %dma_wait3A_107 : memref<1x80x128xf32, #tpu.memory_space<vmem>> -> memref<80x128xf32, #tpu.memory_space<vmem>>
    %dma_wait3A_109 = arith.constant 80 : i32
    %dma_wait3A_110 = tpu.memref_slice %arg6[%dma_wait3A_109] : memref<10000xi32, #tpu.memory_space<vmem>> -> memref<80xi32, #tpu.memory_space<vmem>>
    %dma_wait3A_111 = arith.constant 0 : i32
    %dma_wait3A_112 = arith.constant 0 : i32
    %dma_wait3A_113 = tpu.memref_slice %arg7[%dma_wait3A_111, %dma_wait3A_112] : memref<1000x128xf32, #tpu.memory_space<vmem_shared>> -> memref<1000x128xf32, #tpu.memory_space<vmem_shared>>
    %dma_wait3A_114 = tpu.memref_slice %arg9[%dma_wait3A_104] : memref<5x!tpu.dma_semaphore, #tpu.memory_space<semaphore_mem>> -> memref<1x!tpu.dma_semaphore, #tpu.memory_space<semaphore_mem>>
    %dma_wait3A_115 = tpu.memref_squeeze %dma_wait3A_114 : memref<1x!tpu.dma_semaphore, #tpu.memory_space<semaphore_mem>> -> memref<!tpu.dma_semaphore, #tpu.memory_space<semaphore_mem>>
    tpu.wait_indirect_dma semaphore(%dma_wait3A_115 : memref<!tpu.dma_semaphore, #tpu.memory_space<semaphore_mem>>) src(%dma_wait3A_113 : memref<1000x128xf32, #tpu.memory_space<vmem_shared>>) dst(%dma_wait3A_108 : memref<80x128xf32, #tpu.memory_space<vmem>>)
    %add3A_116 = arith.constant 80 : i32
    %add3A_117 = arith.addi %mul3A_2, %add3A_116 : i32
    %dma_start3A_118 = arith.constant 1 : i32
    %dma_start3A_119 = arith.constant 1 : i32
    %dma_start3A_120 = arith.constant 0 : i32
    %dma_start3A_121 = arith.constant 0 : i32
    %dma_start3A_122 = tpu.memref_slice %arg8[%dma_start3A_118, %dma_start3A_120, %dma_start3A_121] : memref<5x80x128xf32, #tpu.memory_space<vmem>> -> memref<1x80x128xf32, #tpu.memory_space<vmem>>
    %dma_start3A_123 = tpu.memref_squeeze %dma_start3A_122 : memref<1x80x128xf32, #tpu.memory_space<vmem>> -> memref<80x128xf32, #tpu.memory_space<vmem>>
    %dma_start3A_124 = arith.constant 0 : i32
    %dma_start3A_125 = tpu.memref_slice %arg4[%add3A_117, %dma_start3A_124] : memref<320000x128xf32, #tpu.memory_space<hbm>> -> memref<80x128xf32, #tpu.memory_space<hbm>>
    %dma_start3A_126 = tpu.memref_slice %arg10[%dma_start3A_119] : memref<5x!tpu.dma_semaphore, #tpu.memory_space<semaphore_mem>> -> memref<1x!tpu.dma_semaphore, #tpu.memory_space<semaphore_mem>>
    %dma_start3A_127 = tpu.memref_squeeze %dma_start3A_126 : memref<1x!tpu.dma_semaphore, #tpu.memory_space<semaphore_mem>> -> memref<!tpu.dma_semaphore, #tpu.memory_space<semaphore_mem>>
    %dma_start3A_128 = arith.constant 0 : i32
    %dma_start3A_129 = tpu.memref_slice %arg4[%add3A_117, %dma_start3A_128] : memref<320000x128xf32, #tpu.memory_space<hbm>> -> memref<80x128xf32, #tpu.memory_space<hbm>>
    %dma_start3A_130 = arith.constant 0 : i32
    %dma_start3A_131 = arith.constant 0 : i32
    %dma_start3A_132 = tpu.memref_slice %arg8[%dma_start3A_118, %dma_start3A_130, %dma_start3A_131] : memref<5x80x128xf32, #tpu.memory_space<vmem>> -> memref<1x80x128xf32, #tpu.memory_space<vmem>>
    %dma_start3A_133 = tpu.memref_squeeze %dma_start3A_132 : memref<1x80x128xf32, #tpu.memory_space<vmem>> -> memref<80x128xf32, #tpu.memory_space<vmem>>
    tpu.enqueue_dma source(%dma_start3A_133 : memref<80x128xf32, #tpu.memory_space<vmem>>) target(%dma_start3A_129 : memref<80x128xf32, #tpu.memory_space<hbm>>) target_semaphore(%dma_start3A_127 : memref<!tpu.dma_semaphore, #tpu.memory_space<semaphore_mem>>)
    %dma_wait3A_134 = arith.constant 2 : i32
    %dma_wait3A_135 = arith.constant 2 : i32
    %dma_wait3A_136 = arith.constant 0 : i32
    %dma_wait3A_137 = arith.constant 0 : i32
    %dma_wait3A_138 = tpu.memref_slice %arg8[%dma_wait3A_134, %dma_wait3A_136, %dma_wait3A_137] : memref<5x80x128xf32, #tpu.memory_space<vmem>> -> memref<1x80x128xf32, #tpu.memory_space<vmem>>
    %dma_wait3A_139 = tpu.memref_squeeze %dma_wait3A_138 : memref<1x80x128xf32, #tpu.memory_space<vmem>> -> memref<80x128xf32, #tpu.memory_space<vmem>>
    %dma_wait3A_140 = arith.constant 160 : i32
    %dma_wait3A_141 = tpu.memref_slice %arg6[%dma_wait3A_140] : memref<10000xi32, #tpu.memory_space<vmem>> -> memref<80xi32, #tpu.memory_space<vmem>>
    %dma_wait3A_142 = arith.constant 0 : i32
    %dma_wait3A_143 = arith.constant 0 : i32
    %dma_wait3A_144 = tpu.memref_slice %arg7[%dma_wait3A_142, %dma_wait3A_143] : memref<1000x128xf32, #tpu.memory_space<vmem_shared>> -> memref<1000x128xf32, #tpu.memory_space<vmem_shared>>
    %dma_wait3A_145 = tpu.memref_slice %arg9[%dma_wait3A_135] : memref<5x!tpu.dma_semaphore, #tpu.memory_space<semaphore_mem>> -> memref<1x!tpu.dma_semaphore, #tpu.memory_space<semaphore_mem>>
    %dma_wait3A_146 = tpu.memref_squeeze %dma_wait3A_145 : memref<1x!tpu.dma_semaphore, #tpu.memory_space<semaphore_mem>> -> memref<!tpu.dma_semaphore, #tpu.memory_space<semaphore_mem>>
    tpu.wait_indirect_dma semaphore(%dma_wait3A_146 : memref<!tpu.dma_semaphore, #tpu.memory_space<semaphore_mem>>) src(%dma_wait3A_144 : memref<1000x128xf32, #tpu.memory_space<vmem_shared>>) dst(%dma_wait3A_139 : memref<80x128xf32, #tpu.memory_space<vmem>>)
    %add3A_147 = arith.constant 160 : i32
    %add3A_148 = arith.addi %mul3A_2, %add3A_147 : i32
    %dma_start3A_149 = arith.constant 2 : i32
    %dma_start3A_150 = arith.constant 2 : i32
    %dma_start3A_151 = arith.constant 0 : i32
    %dma_start3A_152 = arith.constant 0 : i32
    %dma_start3A_153 = tpu.memref_slice %arg8[%dma_start3A_149, %dma_start3A_151, %dma_start3A_152] : memref<5x80x128xf32, #tpu.memory_space<vmem>> -> memref<1x80x128xf32, #tpu.memory_space<vmem>>
    %dma_start3A_154 = tpu.memref_squeeze %dma_start3A_153 : memref<1x80x128xf32, #tpu.memory_space<vmem>> -> memref<80x128xf32, #tpu.memory_space<vmem>>
    %dma_start3A_155 = arith.constant 0 : i32
    %dma_start3A_156 = tpu.memref_slice %arg4[%add3A_148, %dma_start3A_155] : memref<320000x128xf32, #tpu.memory_space<hbm>> -> memref<80x128xf32, #tpu.memory_space<hbm>>
    %dma_start3A_157 = tpu.memref_slice %arg10[%dma_start3A_150] : memref<5x!tpu.dma_semaphore, #tpu.memory_space<semaphore_mem>> -> memref<1x!tpu.dma_semaphore, #tpu.memory_space<semaphore_mem>>
    %dma_start3A_158 = tpu.memref_squeeze %dma_start3A_157 : memref<1x!tpu.dma_semaphore, #tpu.memory_space<semaphore_mem>> -> memref<!tpu.dma_semaphore, #tpu.memory_space<semaphore_mem>>
    %dma_start3A_159 = arith.constant 0 : i32
    %dma_start3A_160 = tpu.memref_slice %arg4[%add3A_148, %dma_start3A_159] : memref<320000x128xf32, #tpu.memory_space<hbm>> -> memref<80x128xf32, #tpu.memory_space<hbm>>
    %dma_start3A_161 = arith.constant 0 : i32
    %dma_start3A_162 = arith.constant 0 : i32
    %dma_start3A_163 = tpu.memref_slice %arg8[%dma_start3A_149, %dma_start3A_161, %dma_start3A_162] : memref<5x80x128xf32, #tpu.memory_space<vmem>> -> memref<1x80x128xf32, #tpu.memory_space<vmem>>
    %dma_start3A_164 = tpu.memref_squeeze %dma_start3A_163 : memref<1x80x128xf32, #tpu.memory_space<vmem>> -> memref<80x128xf32, #tpu.memory_space<vmem>>
    tpu.enqueue_dma source(%dma_start3A_164 : memref<80x128xf32, #tpu.memory_space<vmem>>) target(%dma_start3A_160 : memref<80x128xf32, #tpu.memory_space<hbm>>) target_semaphore(%dma_start3A_158 : memref<!tpu.dma_semaphore, #tpu.memory_space<semaphore_mem>>)
    %dma_wait3A_165 = arith.constant 3 : i32
    %dma_wait3A_166 = arith.constant 3 : i32
    %dma_wait3A_167 = arith.constant 0 : i32
    %dma_wait3A_168 = arith.constant 0 : i32
    %dma_wait3A_169 = tpu.memref_slice %arg8[%dma_wait3A_165, %dma_wait3A_167, %dma_wait3A_168] : memref<5x80x128xf32, #tpu.memory_space<vmem>> -> memref<1x80x128xf32, #tpu.memory_space<vmem>>
    %dma_wait3A_170 = tpu.memref_squeeze %dma_wait3A_169 : memref<1x80x128xf32, #tpu.memory_space<vmem>> -> memref<80x128xf32, #tpu.memory_space<vmem>>
    %dma_wait3A_171 = arith.constant 240 : i32
    %dma_wait3A_172 = tpu.memref_slice %arg6[%dma_wait3A_171] : memref<10000xi32, #tpu.memory_space<vmem>> -> memref<80xi32, #tpu.memory_space<vmem>>
    %dma_wait3A_173 = arith.constant 0 : i32
    %dma_wait3A_174 = arith.constant 0 : i32
    %dma_wait3A_175 = tpu.memref_slice %arg7[%dma_wait3A_173, %dma_wait3A_174] : memref<1000x128xf32, #tpu.memory_space<vmem_shared>> -> memref<1000x128xf32, #tpu.memory_space<vmem_shared>>
    %dma_wait3A_176 = tpu.memref_slice %arg9[%dma_wait3A_166] : memref<5x!tpu.dma_semaphore, #tpu.memory_space<semaphore_mem>> -> memref<1x!tpu.dma_semaphore, #tpu.memory_space<semaphore_mem>>
    %dma_wait3A_177 = tpu.memref_squeeze %dma_wait3A_176 : memref<1x!tpu.dma_semaphore, #tpu.memory_space<semaphore_mem>> -> memref<!tpu.dma_semaphore, #tpu.memory_space<semaphore_mem>>
    tpu.wait_indirect_dma semaphore(%dma_wait3A_177 : memref<!tpu.dma_semaphore, #tpu.memory_space<semaphore_mem>>) src(%dma_wait3A_175 : memref<1000x128xf32, #tpu.memory_space<vmem_shared>>) dst(%dma_wait3A_170 : memref<80x128xf32, #tpu.memory_space<vmem>>)
    %add3A_178 = arith.constant 240 : i32
    %add3A_179 = arith.addi %mul3A_2, %add3A_178 : i32
    %dma_start3A_180 = arith.constant 3 : i32
    %dma_start3A_181 = arith.constant 3 : i32
    %dma_start3A_182 = arith.constant 0 : i32
    %dma_start3A_183 = arith.constant 0 : i32
    %dma_start3A_184 = tpu.memref_slice %arg8[%dma_start3A_180, %dma_start3A_182, %dma_start3A_183] : memref<5x80x128xf32, #tpu.memory_space<vmem>> -> memref<1x80x128xf32, #tpu.memory_space<vmem>>
    %dma_start3A_185 = tpu.memref_squeeze %dma_start3A_184 : memref<1x80x128xf32, #tpu.memory_space<vmem>> -> memref<80x128xf32, #tpu.memory_space<vmem>>
    %dma_start3A_186 = arith.constant 0 : i32
    %dma_start3A_187 = tpu.memref_slice %arg4[%add3A_179, %dma_start3A_186] : memref<320000x128xf32, #tpu.memory_space<hbm>> -> memref<80x128xf32, #tpu.memory_space<hbm>>
    %dma_start3A_188 = tpu.memref_slice %arg10[%dma_start3A_181] : memref<5x!tpu.dma_semaphore, #tpu.memory_space<semaphore_mem>> -> memref<1x!tpu.dma_semaphore, #tpu.memory_space<semaphore_mem>>
    %dma_start3A_189 = tpu.memref_squeeze %dma_start3A_188 : memref<1x!tpu.dma_semaphore, #tpu.memory_space<semaphore_mem>> -> memref<!tpu.dma_semaphore, #tpu.memory_space<semaphore_mem>>
    %dma_start3A_190 = arith.constant 0 : i32
    %dma_start3A_191 = tpu.memref_slice %arg4[%add3A_179, %dma_start3A_190] : memref<320000x128xf32, #tpu.memory_space<hbm>> -> memref<80x128xf32, #tpu.memory_space<hbm>>
    %dma_start3A_192 = arith.constant 0 : i32
    %dma_start3A_193 = arith.constant 0 : i32
    %dma_start3A_194 = tpu.memref_slice %arg8[%dma_start3A_180, %dma_start3A_192, %dma_start3A_193] : memref<5x80x128xf32, #tpu.memory_space<vmem>> -> memref<1x80x128xf32, #tpu.memory_space<vmem>>
    %dma_start3A_195 = tpu.memref_squeeze %dma_start3A_194 : memref<1x80x128xf32, #tpu.memory_space<vmem>> -> memref<80x128xf32, #tpu.memory_space<vmem>>
    tpu.enqueue_dma source(%dma_start3A_195 : memref<80x128xf32, #tpu.memory_space<vmem>>) target(%dma_start3A_191 : memref<80x128xf32, #tpu.memory_space<hbm>>) target_semaphore(%dma_start3A_189 : memref<!tpu.dma_semaphore, #tpu.memory_space<semaphore_mem>>)
    %dma_wait3A_196 = arith.constant 4 : i32
    %dma_wait3A_197 = arith.constant 4 : i32
    %dma_wait3A_198 = arith.constant 0 : i32
    %dma_wait3A_199 = arith.constant 0 : i32
    %dma_wait3A_200 = tpu.memref_slice %arg8[%dma_wait3A_196, %dma_wait3A_198, %dma_wait3A_199] : memref<5x80x128xf32, #tpu.memory_space<vmem>> -> memref<1x80x128xf32, #tpu.memory_space<vmem>>
    %dma_wait3A_201 = tpu.memref_squeeze %dma_wait3A_200 : memref<1x80x128xf32, #tpu.memory_space<vmem>> -> memref<80x128xf32, #tpu.memory_space<vmem>>
    %dma_wait3A_202 = arith.constant 320 : i32
    %dma_wait3A_203 = tpu.memref_slice %arg6[%dma_wait3A_202] : memref<10000xi32, #tpu.memory_space<vmem>> -> memref<80xi32, #tpu.memory_space<vmem>>
    %dma_wait3A_204 = arith.constant 0 : i32
    %dma_wait3A_205 = arith.constant 0 : i32
    %dma_wait3A_206 = tpu.memref_slice %arg7[%dma_wait3A_204, %dma_wait3A_205] : memref<1000x128xf32, #tpu.memory_space<vmem_shared>> -> memref<1000x128xf32, #tpu.memory_space<vmem_shared>>
    %dma_wait3A_207 = tpu.memref_slice %arg9[%dma_wait3A_197] : memref<5x!tpu.dma_semaphore, #tpu.memory_space<semaphore_mem>> -> memref<1x!tpu.dma_semaphore, #tpu.memory_space<semaphore_mem>>
    %dma_wait3A_208 = tpu.memref_squeeze %dma_wait3A_207 : memref<1x!tpu.dma_semaphore, #tpu.memory_space<semaphore_mem>> -> memref<!tpu.dma_semaphore, #tpu.memory_space<semaphore_mem>>
    tpu.wait_indirect_dma semaphore(%dma_wait3A_208 : memref<!tpu.dma_semaphore, #tpu.memory_space<semaphore_mem>>) src(%dma_wait3A_206 : memref<1000x128xf32, #tpu.memory_space<vmem_shared>>) dst(%dma_wait3A_201 : memref<80x128xf32, #tpu.memory_space<vmem>>)
    %add3A_209 = arith.constant 320 : i32
    %add3A_210 = arith.addi %mul3A_2, %add3A_209 : i32
    %dma_start3A_211 = arith.constant 4 : i32
    %dma_start3A_212 = arith.constant 4 : i32
    %dma_start3A_213 = arith.constant 0 : i32
    %dma_start3A_214 = arith.constant 0 : i32
    %dma_start3A_215 = tpu.memref_slice %arg8[%dma_start3A_211, %dma_start3A_213, %dma_start3A_214] : memref<5x80x128xf32, #tpu.memory_space<vmem>> -> memref<1x80x128xf32, #tpu.memory_space<vmem>>
    %dma_start3A_216 = tpu.memref_squeeze %dma_start3A_215 : memref<1x80x128xf32, #tpu.memory_space<vmem>> -> memref<80x128xf32, #tpu.memory_space<vmem>>
    %dma_start3A_217 = arith.constant 0 : i32
    %dma_start3A_218 = tpu.memref_slice %arg4[%add3A_210, %dma_start3A_217] : memref<320000x128xf32, #tpu.memory_space<hbm>> -> memref<80x128xf32, #tpu.memory_space<hbm>>
    %dma_start3A_219 = tpu.memref_slice %arg10[%dma_start3A_212] : memref<5x!tpu.dma_semaphore, #tpu.memory_space<semaphore_mem>> -> memref<1x!tpu.dma_semaphore, #tpu.memory_space<semaphore_mem>>
    %dma_start3A_220 = tpu.memref_squeeze %dma_start3A_219 : memref<1x!tpu.dma_semaphore, #tpu.memory_space<semaphore_mem>> -> memref<!tpu.dma_semaphore, #tpu.memory_space<semaphore_mem>>
    %dma_start3A_221 = arith.constant 0 : i32
    %dma_start3A_222 = tpu.memref_slice %arg4[%add3A_210, %dma_start3A_221] : memref<320000x128xf32, #tpu.memory_space<hbm>> -> memref<80x128xf32, #tpu.memory_space<hbm>>
    %dma_start3A_223 = arith.constant 0 : i32
    %dma_start3A_224 = arith.constant 0 : i32
    %dma_start3A_225 = tpu.memref_slice %arg8[%dma_start3A_211, %dma_start3A_223, %dma_start3A_224] : memref<5x80x128xf32, #tpu.memory_space<vmem>> -> memref<1x80x128xf32, #tpu.memory_space<vmem>>
    %dma_start3A_226 = tpu.memref_squeeze %dma_start3A_225 : memref<1x80x128xf32, #tpu.memory_space<vmem>> -> memref<80x128xf32, #tpu.memory_space<vmem>>
    tpu.enqueue_dma source(%dma_start3A_226 : memref<80x128xf32, #tpu.memory_space<vmem>>) target(%dma_start3A_222 : memref<80x128xf32, #tpu.memory_space<hbm>>) target_semaphore(%dma_start3A_220 : memref<!tpu.dma_semaphore, #tpu.memory_space<semaphore_mem>>)
    %scan3A_227 = arith.constant 0 : i32
    %scan3A_228 = arith.constant 24 : i32
    %scan3A_229 = arith.addi %scan3A_227, %scan3A_228 : i32
    %scan3A_230 = arith.constant 1 : i32
    scf.for %scan3A_312 = %scan3A_227 to %scan3A_229 step %scan3A_230  : i32 {
      %mul3A_313 = arith.constant 1 : i32
      %mul3A_314 = arith.muli %scan3A_312, %mul3A_313 : i32
      %add3A_315 = arith.constant 1 : i32
      %add3A_316 = arith.addi %add3A_315, %mul3A_314 : i32
      %dma_wait3A_317 = arith.constant 0 : i32
      %dma_wait3A_318 = arith.constant 0 : i32
      %dma_wait3A_319 = arith.constant 0 : i32
      %dma_wait3A_320 = arith.constant 0 : i32
      %dma_wait3A_321 = tpu.memref_slice %arg8[%dma_wait3A_317, %dma_wait3A_319, %dma_wait3A_320] : memref<5x80x128xf32, #tpu.memory_space<vmem>> -> memref<1x80x128xf32, #tpu.memory_space<vmem>>
      %dma_wait3A_322 = tpu.memref_squeeze %dma_wait3A_321 : memref<1x80x128xf32, #tpu.memory_space<vmem>> -> memref<80x128xf32, #tpu.memory_space<vmem>>
      %dma_wait3A_323 = arith.constant 0 : i32
      %dma_wait3A_324 = tpu.memref_slice %arg4[%mul3A_2, %dma_wait3A_323] : memref<320000x128xf32, #tpu.memory_space<hbm>> -> memref<80x128xf32, #tpu.memory_space<hbm>>
      %dma_wait3A_325 = tpu.memref_slice %arg10[%dma_wait3A_318] : memref<5x!tpu.dma_semaphore, #tpu.memory_space<semaphore_mem>> -> memref<1x!tpu.dma_semaphore, #tpu.memory_space<semaphore_mem>>
      %dma_wait3A_326 = tpu.memref_squeeze %dma_wait3A_325 : memref<1x!tpu.dma_semaphore, #tpu.memory_space<semaphore_mem>> -> memref<!tpu.dma_semaphore, #tpu.memory_space<semaphore_mem>>
      %dma_wait3A_327 = arith.constant 0 : i32
      %dma_wait3A_328 = tpu.memref_slice %arg4[%mul3A_2, %dma_wait3A_327] : memref<320000x128xf32, #tpu.memory_space<hbm>> -> memref<80x128xf32, #tpu.memory_space<hbm>>
      %dma_wait3A_329 = arith.constant 0 : i32
      %dma_wait3A_330 = arith.constant 0 : i32
      %dma_wait3A_331 = tpu.memref_slice %arg8[%dma_wait3A_317, %dma_wait3A_329, %dma_wait3A_330] : memref<5x80x128xf32, #tpu.memory_space<vmem>> -> memref<1x80x128xf32, #tpu.memory_space<vmem>>
      %dma_wait3A_332 = tpu.memref_squeeze %dma_wait3A_331 : memref<1x80x128xf32, #tpu.memory_space<vmem>> -> memref<80x128xf32, #tpu.memory_space<vmem>>
      tpu.wait_dma2 semaphore(%dma_wait3A_326 : memref<!tpu.dma_semaphore, #tpu.memory_space<semaphore_mem>>) src(%dma_wait3A_332 : memref<80x128xf32, #tpu.memory_space<vmem>>) dst(%dma_wait3A_328 : memref<80x128xf32, #tpu.memory_space<hbm>>)
      %dma_wait3A_333 = arith.constant 1 : i32
      %dma_wait3A_334 = arith.constant 1 : i32
      %dma_wait3A_335 = arith.constant 0 : i32
      %dma_wait3A_336 = arith.constant 0 : i32
      %dma_wait3A_337 = tpu.memref_slice %arg8[%dma_wait3A_333, %dma_wait3A_335, %dma_wait3A_336] : memref<5x80x128xf32, #tpu.memory_space<vmem>> -> memref<1x80x128xf32, #tpu.memory_space<vmem>>
      %dma_wait3A_338 = tpu.memref_squeeze %dma_wait3A_337 : memref<1x80x128xf32, #tpu.memory_space<vmem>> -> memref<80x128xf32, #tpu.memory_space<vmem>>
      %dma_wait3A_339 = arith.constant 0 : i32
      %dma_wait3A_340 = tpu.memref_slice %arg4[%mul3A_2, %dma_wait3A_339] : memref<320000x128xf32, #tpu.memory_space<hbm>> -> memref<80x128xf32, #tpu.memory_space<hbm>>
      %dma_wait3A_341 = tpu.memref_slice %arg10[%dma_wait3A_334] : memref<5x!tpu.dma_semaphore, #tpu.memory_space<semaphore_mem>> -> memref<1x!tpu.dma_semaphore, #tpu.memory_space<semaphore_mem>>
      %dma_wait3A_342 = tpu.memref_squeeze %dma_wait3A_341 : memref<1x!tpu.dma_semaphore, #tpu.memory_space<semaphore_mem>> -> memref<!tpu.dma_semaphore, #tpu.memory_space<semaphore_mem>>
      %dma_wait3A_343 = arith.constant 0 : i32
      %dma_wait3A_344 = tpu.memref_slice %arg4[%mul3A_2, %dma_wait3A_343] : memref<320000x128xf32, #tpu.memory_space<hbm>> -> memref<80x128xf32, #tpu.memory_space<hbm>>
      %dma_wait3A_345 = arith.constant 0 : i32
      %dma_wait3A_346 = arith.constant 0 : i32
      %dma_wait3A_347 = tpu.memref_slice %arg8[%dma_wait3A_333, %dma_wait3A_345, %dma_wait3A_346] : memref<5x80x128xf32, #tpu.memory_space<vmem>> -> memref<1x80x128xf32, #tpu.memory_space<vmem>>
      %dma_wait3A_348 = tpu.memref_squeeze %dma_wait3A_347 : memref<1x80x128xf32, #tpu.memory_space<vmem>> -> memref<80x128xf32, #tpu.memory_space<vmem>>
      tpu.wait_dma2 semaphore(%dma_wait3A_342 : memref<!tpu.dma_semaphore, #tpu.memory_space<semaphore_mem>>) src(%dma_wait3A_348 : memref<80x128xf32, #tpu.memory_space<vmem>>) dst(%dma_wait3A_344 : memref<80x128xf32, #tpu.memory_space<hbm>>)
      %dma_wait3A_349 = arith.constant 2 : i32
      %dma_wait3A_350 = arith.constant 2 : i32
      %dma_wait3A_351 = arith.constant 0 : i32
      %dma_wait3A_352 = arith.constant 0 : i32
      %dma_wait3A_353 = tpu.memref_slice %arg8[%dma_wait3A_349, %dma_wait3A_351, %dma_wait3A_352] : memref<5x80x128xf32, #tpu.memory_space<vmem>> -> memref<1x80x128xf32, #tpu.memory_space<vmem>>
      %dma_wait3A_354 = tpu.memref_squeeze %dma_wait3A_353 : memref<1x80x128xf32, #tpu.memory_space<vmem>> -> memref<80x128xf32, #tpu.memory_space<vmem>>
      %dma_wait3A_355 = arith.constant 0 : i32
      %dma_wait3A_356 = tpu.memref_slice %arg4[%mul3A_2, %dma_wait3A_355] : memref<320000x128xf32, #tpu.memory_space<hbm>> -> memref<80x128xf32, #tpu.memory_space<hbm>>
      %dma_wait3A_357 = tpu.memref_slice %arg10[%dma_wait3A_350] : memref<5x!tpu.dma_semaphore, #tpu.memory_space<semaphore_mem>> -> memref<1x!tpu.dma_semaphore, #tpu.memory_space<semaphore_mem>>
      %dma_wait3A_358 = tpu.memref_squeeze %dma_wait3A_357 : memref<1x!tpu.dma_semaphore, #tpu.memory_space<semaphore_mem>> -> memref<!tpu.dma_semaphore, #tpu.memory_space<semaphore_mem>>
      %dma_wait3A_359 = arith.constant 0 : i32
      %dma_wait3A_360 = tpu.memref_slice %arg4[%mul3A_2, %dma_wait3A_359] : memref<320000x128xf32, #tpu.memory_space<hbm>> -> memref<80x128xf32, #tpu.memory_space<hbm>>
      %dma_wait3A_361 = arith.constant 0 : i32
      %dma_wait3A_362 = arith.constant 0 : i32
      %dma_wait3A_363 = tpu.memref_slice %arg8[%dma_wait3A_349, %dma_wait3A_361, %dma_wait3A_362] : memref<5x80x128xf32, #tpu.memory_space<vmem>> -> memref<1x80x128xf32, #tpu.memory_space<vmem>>
      %dma_wait3A_364 = tpu.memref_squeeze %dma_wait3A_363 : memref<1x80x128xf32, #tpu.memory_space<vmem>> -> memref<80x128xf32, #tpu.memory_space<vmem>>
      tpu.wait_dma2 semaphore(%dma_wait3A_358 : memref<!tpu.dma_semaphore, #tpu.memory_space<semaphore_mem>>) src(%dma_wait3A_364 : memref<80x128xf32, #tpu.memory_space<vmem>>) dst(%dma_wait3A_360 : memref<80x128xf32, #tpu.memory_space<hbm>>)
      %dma_wait3A_365 = arith.constant 3 : i32
      %dma_wait3A_366 = arith.constant 3 : i32
      %dma_wait3A_367 = arith.constant 0 : i32
      %dma_wait3A_368 = arith.constant 0 : i32
      %dma_wait3A_369 = tpu.memref_slice %arg8[%dma_wait3A_365, %dma_wait3A_367, %dma_wait3A_368] : memref<5x80x128xf32, #tpu.memory_space<vmem>> -> memref<1x80x128xf32, #tpu.memory_space<vmem>>
      %dma_wait3A_370 = tpu.memref_squeeze %dma_wait3A_369 : memref<1x80x128xf32, #tpu.memory_space<vmem>> -> memref<80x128xf32, #tpu.memory_space<vmem>>
      %dma_wait3A_371 = arith.constant 0 : i32
      %dma_wait3A_372 = tpu.memref_slice %arg4[%mul3A_2, %dma_wait3A_371] : memref<320000x128xf32, #tpu.memory_space<hbm>> -> memref<80x128xf32, #tpu.memory_space<hbm>>
      %dma_wait3A_373 = tpu.memref_slice %arg10[%dma_wait3A_366] : memref<5x!tpu.dma_semaphore, #tpu.memory_space<semaphore_mem>> -> memref<1x!tpu.dma_semaphore, #tpu.memory_space<semaphore_mem>>
      %dma_wait3A_374 = tpu.memref_squeeze %dma_wait3A_373 : memref<1x!tpu.dma_semaphore, #tpu.memory_space<semaphore_mem>> -> memref<!tpu.dma_semaphore, #tpu.memory_space<semaphore_mem>>
      %dma_wait3A_375 = arith.constant 0 : i32
      %dma_wait3A_376 = tpu.memref_slice %arg4[%mul3A_2, %dma_wait3A_375] : memref<320000x128xf32, #tpu.memory_space<hbm>> -> memref<80x128xf32, #tpu.memory_space<hbm>>
      %dma_wait3A_377 = arith.constant 0 : i32
      %dma_wait3A_378 = arith.constant 0 : i32
      %dma_wait3A_379 = tpu.memref_slice %arg8[%dma_wait3A_365, %dma_wait3A_377, %dma_wait3A_378] : memref<5x80x128xf32, #tpu.memory_space<vmem>> -> memref<1x80x128xf32, #tpu.memory_space<vmem>>
      %dma_wait3A_380 = tpu.memref_squeeze %dma_wait3A_379 : memref<1x80x128xf32, #tpu.memory_space<vmem>> -> memref<80x128xf32, #tpu.memory_space<vmem>>
      tpu.wait_dma2 semaphore(%dma_wait3A_374 : memref<!tpu.dma_semaphore, #tpu.memory_space<semaphore_mem>>) src(%dma_wait3A_380 : memref<80x128xf32, #tpu.memory_space<vmem>>) dst(%dma_wait3A_376 : memref<80x128xf32, #tpu.memory_space<hbm>>)
      %dma_wait3A_381 = arith.constant 4 : i32
      %dma_wait3A_382 = arith.constant 4 : i32
      %dma_wait3A_383 = arith.constant 0 : i32
      %dma_wait3A_384 = arith.constant 0 : i32
      %dma_wait3A_385 = tpu.memref_slice %arg8[%dma_wait3A_381, %dma_wait3A_383, %dma_wait3A_384] : memref<5x80x128xf32, #tpu.memory_space<vmem>> -> memref<1x80x128xf32, #tpu.memory_space<vmem>>
      %dma_wait3A_386 = tpu.memref_squeeze %dma_wait3A_385 : memref<1x80x128xf32, #tpu.memory_space<vmem>> -> memref<80x128xf32, #tpu.memory_space<vmem>>
      %dma_wait3A_387 = arith.constant 0 : i32
      %dma_wait3A_388 = tpu.memref_slice %arg4[%mul3A_2, %dma_wait3A_387] : memref<320000x128xf32, #tpu.memory_space<hbm>> -> memref<80x128xf32, #tpu.memory_space<hbm>>
      %dma_wait3A_389 = tpu.memref_slice %arg10[%dma_wait3A_382] : memref<5x!tpu.dma_semaphore, #tpu.memory_space<semaphore_mem>> -> memref<1x!tpu.dma_semaphore, #tpu.memory_space<semaphore_mem>>
      %dma_wait3A_390 = tpu.memref_squeeze %dma_wait3A_389 : memref<1x!tpu.dma_semaphore, #tpu.memory_space<semaphore_mem>> -> memref<!tpu.dma_semaphore, #tpu.memory_space<semaphore_mem>>
      %dma_wait3A_391 = arith.constant 0 : i32
      %dma_wait3A_392 = tpu.memref_slice %arg4[%mul3A_2, %dma_wait3A_391] : memref<320000x128xf32, #tpu.memory_space<hbm>> -> memref<80x128xf32, #tpu.memory_space<hbm>>
      %dma_wait3A_393 = arith.constant 0 : i32
      %dma_wait3A_394 = arith.constant 0 : i32
      %dma_wait3A_395 = tpu.memref_slice %arg8[%dma_wait3A_381, %dma_wait3A_393, %dma_wait3A_394] : memref<5x80x128xf32, #tpu.memory_space<vmem>> -> memref<1x80x128xf32, #tpu.memory_space<vmem>>
      %dma_wait3A_396 = tpu.memref_squeeze %dma_wait3A_395 : memref<1x80x128xf32, #tpu.memory_space<vmem>> -> memref<80x128xf32, #tpu.memory_space<vmem>>
      tpu.wait_dma2 semaphore(%dma_wait3A_390 : memref<!tpu.dma_semaphore, #tpu.memory_space<semaphore_mem>>) src(%dma_wait3A_396 : memref<80x128xf32, #tpu.memory_space<vmem>>) dst(%dma_wait3A_392 : memref<80x128xf32, #tpu.memory_space<hbm>>)
      %mul3A_397 = arith.constant 5 : i32
      %mul3A_398 = arith.muli %add3A_316, %mul3A_397 : i32
      %add3A_399 = arith.constant 0 : i32
      %add3A_400 = arith.addi %mul3A_398, %add3A_399 : i32
      %mul3A_401 = arith.constant 80 : i32
      %mul3A_402 = arith.muli %add3A_400, %mul3A_401 : i32
      %dma_start3A_403 = arith.constant 0 : i32
      %dma_start3A_404 = arith.constant 0 : i32
      %dma_start3A_405 = arith.constant 0 : i32
      %dma_start3A_406 = arith.constant 0 : i32
      %dma_start3A_407 = tpu.memref_slice %arg8[%dma_start3A_403, %dma_start3A_405, %dma_start3A_406] : memref<5x80x128xf32, #tpu.memory_space<vmem>> -> memref<1x80x128xf32, #tpu.memory_space<vmem>>
      %dma_start3A_408 = tpu.memref_squeeze %dma_start3A_407 : memref<1x80x128xf32, #tpu.memory_space<vmem>> -> memref<80x128xf32, #tpu.memory_space<vmem>>
      %dma_start3A_409 = tpu.memref_slice %arg6[%mul3A_402] : memref<10000xi32, #tpu.memory_space<vmem>> -> memref<80xi32, #tpu.memory_space<vmem>>
      %dma_start3A_410 = arith.constant 0 : i32
      %dma_start3A_411 = arith.constant 0 : i32
      %dma_start3A_412 = tpu.memref_slice %arg7[%dma_start3A_410, %dma_start3A_411] : memref<1000x128xf32, #tpu.memory_space<vmem_shared>> -> memref<1000x128xf32, #tpu.memory_space<vmem_shared>>
      %dma_start3A_413 = tpu.memref_slice %arg9[%dma_start3A_404] : memref<5x!tpu.dma_semaphore, #tpu.memory_space<semaphore_mem>> -> memref<1x!tpu.dma_semaphore, #tpu.memory_space<semaphore_mem>>
      %dma_start3A_414 = tpu.memref_squeeze %dma_start3A_413 : memref<1x!tpu.dma_semaphore, #tpu.memory_space<semaphore_mem>> -> memref<!tpu.dma_semaphore, #tpu.memory_space<semaphore_mem>>
      tpu.enqueue_indirect_dma source(%dma_start3A_412 : memref<1000x128xf32, #tpu.memory_space<vmem_shared>>) target(%dma_start3A_408 : memref<80x128xf32, #tpu.memory_space<vmem>>) offsets(%dma_start3A_409 : memref<80xi32, #tpu.memory_space<vmem>>) semaphore(%dma_start3A_414 : memref<!tpu.dma_semaphore, #tpu.memory_space<semaphore_mem>>)
      %mul3A_415 = arith.constant 5 : i32
      %mul3A_416 = arith.muli %add3A_316, %mul3A_415 : i32
      %add3A_417 = arith.constant 1 : i32
      %add3A_418 = arith.addi %mul3A_416, %add3A_417 : i32
      %mul3A_419 = arith.constant 80 : i32
      %mul3A_420 = arith.muli %add3A_418, %mul3A_419 : i32
      %dma_start3A_421 = arith.constant 1 : i32
      %dma_start3A_422 = arith.constant 1 : i32
      %dma_start3A_423 = arith.constant 0 : i32
      %dma_start3A_424 = arith.constant 0 : i32
      %dma_start3A_425 = tpu.memref_slice %arg8[%dma_start3A_421, %dma_start3A_423, %dma_start3A_424] : memref<5x80x128xf32, #tpu.memory_space<vmem>> -> memref<1x80x128xf32, #tpu.memory_space<vmem>>
      %dma_start3A_426 = tpu.memref_squeeze %dma_start3A_425 : memref<1x80x128xf32, #tpu.memory_space<vmem>> -> memref<80x128xf32, #tpu.memory_space<vmem>>
      %dma_start3A_427 = tpu.memref_slice %arg6[%mul3A_420] : memref<10000xi32, #tpu.memory_space<vmem>> -> memref<80xi32, #tpu.memory_space<vmem>>
      %dma_start3A_428 = arith.constant 0 : i32
      %dma_start3A_429 = arith.constant 0 : i32
      %dma_start3A_430 = tpu.memref_slice %arg7[%dma_start3A_428, %dma_start3A_429] : memref<1000x128xf32, #tpu.memory_space<vmem_shared>> -> memref<1000x128xf32, #tpu.memory_space<vmem_shared>>
      %dma_start3A_431 = tpu.memref_slice %arg9[%dma_start3A_422] : memref<5x!tpu.dma_semaphore, #tpu.memory_space<semaphore_mem>> -> memref<1x!tpu.dma_semaphore, #tpu.memory_space<semaphore_mem>>
      %dma_start3A_432 = tpu.memref_squeeze %dma_start3A_431 : memref<1x!tpu.dma_semaphore, #tpu.memory_space<semaphore_mem>> -> memref<!tpu.dma_semaphore, #tpu.memory_space<semaphore_mem>>
      tpu.enqueue_indirect_dma source(%dma_start3A_430 : memref<1000x128xf32, #tpu.memory_space<vmem_shared>>) target(%dma_start3A_426 : memref<80x128xf32, #tpu.memory_space<vmem>>) offsets(%dma_start3A_427 : memref<80xi32, #tpu.memory_space<vmem>>) semaphore(%dma_start3A_432 : memref<!tpu.dma_semaphore, #tpu.memory_space<semaphore_mem>>)
      %mul3A_433 = arith.constant 5 : i32
      %mul3A_434 = arith.muli %add3A_316, %mul3A_433 : i32
      %add3A_435 = arith.constant 2 : i32
      %add3A_436 = arith.addi %mul3A_434, %add3A_435 : i32
      %mul3A_437 = arith.constant 80 : i32
      %mul3A_438 = arith.muli %add3A_436, %mul3A_437 : i32
      %dma_start3A_439 = arith.constant 2 : i32
      %dma_start3A_440 = arith.constant 2 : i32
      %dma_start3A_441 = arith.constant 0 : i32
      %dma_start3A_442 = arith.constant 0 : i32
      %dma_start3A_443 = tpu.memref_slice %arg8[%dma_start3A_439, %dma_start3A_441, %dma_start3A_442] : memref<5x80x128xf32, #tpu.memory_space<vmem>> -> memref<1x80x128xf32, #tpu.memory_space<vmem>>
      %dma_start3A_444 = tpu.memref_squeeze %dma_start3A_443 : memref<1x80x128xf32, #tpu.memory_space<vmem>> -> memref<80x128xf32, #tpu.memory_space<vmem>>
      %dma_start3A_445 = tpu.memref_slice %arg6[%mul3A_438] : memref<10000xi32, #tpu.memory_space<vmem>> -> memref<80xi32, #tpu.memory_space<vmem>>
      %dma_start3A_446 = arith.constant 0 : i32
      %dma_start3A_447 = arith.constant 0 : i32
      %dma_start3A_448 = tpu.memref_slice %arg7[%dma_start3A_446, %dma_start3A_447] : memref<1000x128xf32, #tpu.memory_space<vmem_shared>> -> memref<1000x128xf32, #tpu.memory_space<vmem_shared>>
      %dma_start3A_449 = tpu.memref_slice %arg9[%dma_start3A_440] : memref<5x!tpu.dma_semaphore, #tpu.memory_space<semaphore_mem>> -> memref<1x!tpu.dma_semaphore, #tpu.memory_space<semaphore_mem>>
      %dma_start3A_450 = tpu.memref_squeeze %dma_start3A_449 : memref<1x!tpu.dma_semaphore, #tpu.memory_space<semaphore_mem>> -> memref<!tpu.dma_semaphore, #tpu.memory_space<semaphore_mem>>
      tpu.enqueue_indirect_dma source(%dma_start3A_448 : memref<1000x128xf32, #tpu.memory_space<vmem_shared>>) target(%dma_start3A_444 : memref<80x128xf32, #tpu.memory_space<vmem>>) offsets(%dma_start3A_445 : memref<80xi32, #tpu.memory_space<vmem>>) semaphore(%dma_start3A_450 : memref<!tpu.dma_semaphore, #tpu.memory_space<semaphore_mem>>)
      %mul3A_451 = arith.constant 5 : i32
      %mul3A_452 = arith.muli %add3A_316, %mul3A_451 : i32
      %add3A_453 = arith.constant 3 : i32
      %add3A_454 = arith.addi %mul3A_452, %add3A_453 : i32
      %mul3A_455 = arith.constant 80 : i32
      %mul3A_456 = arith.muli %add3A_454, %mul3A_455 : i32
      %dma_start3A_457 = arith.constant 3 : i32
      %dma_start3A_458 = arith.constant 3 : i32
      %dma_start3A_459 = arith.constant 0 : i32
      %dma_start3A_460 = arith.constant 0 : i32
      %dma_start3A_461 = tpu.memref_slice %arg8[%dma_start3A_457, %dma_start3A_459, %dma_start3A_460] : memref<5x80x128xf32, #tpu.memory_space<vmem>> -> memref<1x80x128xf32, #tpu.memory_space<vmem>>
      %dma_start3A_462 = tpu.memref_squeeze %dma_start3A_461 : memref<1x80x128xf32, #tpu.memory_space<vmem>> -> memref<80x128xf32, #tpu.memory_space<vmem>>
      %dma_start3A_463 = tpu.memref_slice %arg6[%mul3A_456] : memref<10000xi32, #tpu.memory_space<vmem>> -> memref<80xi32, #tpu.memory_space<vmem>>
      %dma_start3A_464 = arith.constant 0 : i32
      %dma_start3A_465 = arith.constant 0 : i32
      %dma_start3A_466 = tpu.memref_slice %arg7[%dma_start3A_464, %dma_start3A_465] : memref<1000x128xf32, #tpu.memory_space<vmem_shared>> -> memref<1000x128xf32, #tpu.memory_space<vmem_shared>>
      %dma_start3A_467 = tpu.memref_slice %arg9[%dma_start3A_458] : memref<5x!tpu.dma_semaphore, #tpu.memory_space<semaphore_mem>> -> memref<1x!tpu.dma_semaphore, #tpu.memory_space<semaphore_mem>>
      %dma_start3A_468 = tpu.memref_squeeze %dma_start3A_467 : memref<1x!tpu.dma_semaphore, #tpu.memory_space<semaphore_mem>> -> memref<!tpu.dma_semaphore, #tpu.memory_space<semaphore_mem>>
      tpu.enqueue_indirect_dma source(%dma_start3A_466 : memref<1000x128xf32, #tpu.memory_space<vmem_shared>>) target(%dma_start3A_462 : memref<80x128xf32, #tpu.memory_space<vmem>>) offsets(%dma_start3A_463 : memref<80xi32, #tpu.memory_space<vmem>>) semaphore(%dma_start3A_468 : memref<!tpu.dma_semaphore, #tpu.memory_space<semaphore_mem>>)
      %mul3A_469 = arith.constant 5 : i32
      %mul3A_470 = arith.muli %add3A_316, %mul3A_469 : i32
      %add3A_471 = arith.constant 4 : i32
      %add3A_472 = arith.addi %mul3A_470, %add3A_471 : i32
      %mul3A_473 = arith.constant 80 : i32
      %mul3A_474 = arith.muli %add3A_472, %mul3A_473 : i32
      %dma_start3A_475 = arith.constant 4 : i32
      %dma_start3A_476 = arith.constant 4 : i32
      %dma_start3A_477 = arith.constant 0 : i32
      %dma_start3A_478 = arith.constant 0 : i32
      %dma_start3A_479 = tpu.memref_slice %arg8[%dma_start3A_475, %dma_start3A_477, %dma_start3A_478] : memref<5x80x128xf32, #tpu.memory_space<vmem>> -> memref<1x80x128xf32, #tpu.memory_space<vmem>>
      %dma_start3A_480 = tpu.memref_squeeze %dma_start3A_479 : memref<1x80x128xf32, #tpu.memory_space<vmem>> -> memref<80x128xf32, #tpu.memory_space<vmem>>
      %dma_start3A_481 = tpu.memref_slice %arg6[%mul3A_474] : memref<10000xi32, #tpu.memory_space<vmem>> -> memref<80xi32, #tpu.memory_space<vmem>>
      %dma_start3A_482 = arith.constant 0 : i32
      %dma_start3A_483 = arith.constant 0 : i32
      %dma_start3A_484 = tpu.memref_slice %arg7[%dma_start3A_482, %dma_start3A_483] : memref<1000x128xf32, #tpu.memory_space<vmem_shared>> -> memref<1000x128xf32, #tpu.memory_space<vmem_shared>>
      %dma_start3A_485 = tpu.memref_slice %arg9[%dma_start3A_476] : memref<5x!tpu.dma_semaphore, #tpu.memory_space<semaphore_mem>> -> memref<1x!tpu.dma_semaphore, #tpu.memory_space<semaphore_mem>>
      %dma_start3A_486 = tpu.memref_squeeze %dma_start3A_485 : memref<1x!tpu.dma_semaphore, #tpu.memory_space<semaphore_mem>> -> memref<!tpu.dma_semaphore, #tpu.memory_space<semaphore_mem>>
      tpu.enqueue_indirect_dma source(%dma_start3A_484 : memref<1000x128xf32, #tpu.memory_space<vmem_shared>>) target(%dma_start3A_480 : memref<80x128xf32, #tpu.memory_space<vmem>>) offsets(%dma_start3A_481 : memref<80xi32, #tpu.memory_space<vmem>>) semaphore(%dma_start3A_486 : memref<!tpu.dma_semaphore, #tpu.memory_space<semaphore_mem>>)
      %dma_wait3A_487 = arith.constant 0 : i32
      %dma_wait3A_488 = arith.constant 0 : i32
      %dma_wait3A_489 = arith.constant 0 : i32
      %dma_wait3A_490 = arith.constant 0 : i32
      %dma_wait3A_491 = tpu.memref_slice %arg8[%dma_wait3A_487, %dma_wait3A_489, %dma_wait3A_490] : memref<5x80x128xf32, #tpu.memory_space<vmem>> -> memref<1x80x128xf32, #tpu.memory_space<vmem>>
      %dma_wait3A_492 = tpu.memref_squeeze %dma_wait3A_491 : memref<1x80x128xf32, #tpu.memory_space<vmem>> -> memref<80x128xf32, #tpu.memory_space<vmem>>
      %dma_wait3A_493 = tpu.memref_slice %arg6[%mul3A_402] : memref<10000xi32, #tpu.memory_space<vmem>> -> memref<80xi32, #tpu.memory_space<vmem>>
      %dma_wait3A_494 = arith.constant 0 : i32
      %dma_wait3A_495 = arith.constant 0 : i32
      %dma_wait3A_496 = tpu.memref_slice %arg7[%dma_wait3A_494, %dma_wait3A_495] : memref<1000x128xf32, #tpu.memory_space<vmem_shared>> -> memref<1000x128xf32, #tpu.memory_space<vmem_shared>>
      %dma_wait3A_497 = tpu.memref_slice %arg9[%dma_wait3A_488] : memref<5x!tpu.dma_semaphore, #tpu.memory_space<semaphore_mem>> -> memref<1x!tpu.dma_semaphore, #tpu.memory_space<semaphore_mem>>
      %dma_wait3A_498 = tpu.memref_squeeze %dma_wait3A_497 : memref<1x!tpu.dma_semaphore, #tpu.memory_space<semaphore_mem>> -> memref<!tpu.dma_semaphore, #tpu.memory_space<semaphore_mem>>
      tpu.wait_indirect_dma semaphore(%dma_wait3A_498 : memref<!tpu.dma_semaphore, #tpu.memory_space<semaphore_mem>>) src(%dma_wait3A_496 : memref<1000x128xf32, #tpu.memory_space<vmem_shared>>) dst(%dma_wait3A_492 : memref<80x128xf32, #tpu.memory_space<vmem>>)
      %mul3A_499 = arith.constant 5 : i32
      %mul3A_500 = arith.muli %add3A_316, %mul3A_499 : i32
      %add3A_501 = arith.constant 0 : i32
      %add3A_502 = arith.addi %mul3A_500, %add3A_501 : i32
      %mul3A_503 = arith.constant 80 : i32
      %mul3A_504 = arith.muli %add3A_502, %mul3A_503 : i32
      %add3A_505 = arith.addi %mul3A_2, %mul3A_504 : i32
      %dma_start3A_506 = arith.constant 0 : i32
      %dma_start3A_507 = arith.constant 0 : i32
      %dma_start3A_508 = arith.constant 0 : i32
      %dma_start3A_509 = arith.constant 0 : i32
      %dma_start3A_510 = tpu.memref_slice %arg8[%dma_start3A_506, %dma_start3A_508, %dma_start3A_509] : memref<5x80x128xf32, #tpu.memory_space<vmem>> -> memref<1x80x128xf32, #tpu.memory_space<vmem>>
      %dma_start3A_511 = tpu.memref_squeeze %dma_start3A_510 : memref<1x80x128xf32, #tpu.memory_space<vmem>> -> memref<80x128xf32, #tpu.memory_space<vmem>>
      %dma_start3A_512 = arith.constant 0 : i32
      %dma_start3A_513 = tpu.memref_slice %arg4[%add3A_505, %dma_start3A_512] : memref<320000x128xf32, #tpu.memory_space<hbm>> -> memref<80x128xf32, #tpu.memory_space<hbm>>
      %dma_start3A_514 = tpu.memref_slice %arg10[%dma_start3A_507] : memref<5x!tpu.dma_semaphore, #tpu.memory_space<semaphore_mem>> -> memref<1x!tpu.dma_semaphore, #tpu.memory_space<semaphore_mem>>
      %dma_start3A_515 = tpu.memref_squeeze %dma_start3A_514 : memref<1x!tpu.dma_semaphore, #tpu.memory_space<semaphore_mem>> -> memref<!tpu.dma_semaphore, #tpu.memory_space<semaphore_mem>>
      %dma_start3A_516 = arith.constant 0 : i32
      %dma_start3A_517 = tpu.memref_slice %arg4[%add3A_505, %dma_start3A_516] : memref<320000x128xf32, #tpu.memory_space<hbm>> -> memref<80x128xf32, #tpu.memory_space<hbm>>
      %dma_start3A_518 = arith.constant 0 : i32
      %dma_start3A_519 = arith.constant 0 : i32
      %dma_start3A_520 = tpu.memref_slice %arg8[%dma_start3A_506, %dma_start3A_518, %dma_start3A_519] : memref<5x80x128xf32, #tpu.memory_space<vmem>> -> memref<1x80x128xf32, #tpu.memory_space<vmem>>
      %dma_start3A_521 = tpu.memref_squeeze %dma_start3A_520 : memref<1x80x128xf32, #tpu.memory_space<vmem>> -> memref<80x128xf32, #tpu.memory_space<vmem>>
      tpu.enqueue_dma source(%dma_start3A_521 : memref<80x128xf32, #tpu.memory_space<vmem>>) target(%dma_start3A_517 : memref<80x128xf32, #tpu.memory_space<hbm>>) target_semaphore(%dma_start3A_515 : memref<!tpu.dma_semaphore, #tpu.memory_space<semaphore_mem>>)
      %dma_wait3A_522 = arith.constant 1 : i32
      %dma_wait3A_523 = arith.constant 1 : i32
      %dma_wait3A_524 = arith.constant 0 : i32
      %dma_wait3A_525 = arith.constant 0 : i32
      %dma_wait3A_526 = tpu.memref_slice %arg8[%dma_wait3A_522, %dma_wait3A_524, %dma_wait3A_525] : memref<5x80x128xf32, #tpu.memory_space<vmem>> -> memref<1x80x128xf32, #tpu.memory_space<vmem>>
      %dma_wait3A_527 = tpu.memref_squeeze %dma_wait3A_526 : memref<1x80x128xf32, #tpu.memory_space<vmem>> -> memref<80x128xf32, #tpu.memory_space<vmem>>
      %dma_wait3A_528 = tpu.memref_slice %arg6[%mul3A_420] : memref<10000xi32, #tpu.memory_space<vmem>> -> memref<80xi32, #tpu.memory_space<vmem>>
      %dma_wait3A_529 = arith.constant 0 : i32
      %dma_wait3A_530 = arith.constant 0 : i32
      %dma_wait3A_531 = tpu.memref_slice %arg7[%dma_wait3A_529, %dma_wait3A_530] : memref<1000x128xf32, #tpu.memory_space<vmem_shared>> -> memref<1000x128xf32, #tpu.memory_space<vmem_shared>>
      %dma_wait3A_532 = tpu.memref_slice %arg9[%dma_wait3A_523] : memref<5x!tpu.dma_semaphore, #tpu.memory_space<semaphore_mem>> -> memref<1x!tpu.dma_semaphore, #tpu.memory_space<semaphore_mem>>
      %dma_wait3A_533 = tpu.memref_squeeze %dma_wait3A_532 : memref<1x!tpu.dma_semaphore, #tpu.memory_space<semaphore_mem>> -> memref<!tpu.dma_semaphore, #tpu.memory_space<semaphore_mem>>
      tpu.wait_indirect_dma semaphore(%dma_wait3A_533 : memref<!tpu.dma_semaphore, #tpu.memory_space<semaphore_mem>>) src(%dma_wait3A_531 : memref<1000x128xf32, #tpu.memory_space<vmem_shared>>) dst(%dma_wait3A_527 : memref<80x128xf32, #tpu.memory_space<vmem>>)
      %mul3A_534 = arith.constant 5 : i32
      %mul3A_535 = arith.muli %add3A_316, %mul3A_534 : i32
      %add3A_536 = arith.constant 1 : i32
      %add3A_537 = arith.addi %mul3A_535, %add3A_536 : i32
      %mul3A_538 = arith.constant 80 : i32
      %mul3A_539 = arith.muli %add3A_537, %mul3A_538 : i32
      %add3A_540 = arith.addi %mul3A_2, %mul3A_539 : i32
      %dma_start3A_541 = arith.constant 1 : i32
      %dma_start3A_542 = arith.constant 1 : i32
      %dma_start3A_543 = arith.constant 0 : i32
      %dma_start3A_544 = arith.constant 0 : i32
      %dma_start3A_545 = tpu.memref_slice %arg8[%dma_start3A_541, %dma_start3A_543, %dma_start3A_544] : memref<5x80x128xf32, #tpu.memory_space<vmem>> -> memref<1x80x128xf32, #tpu.memory_space<vmem>>
      %dma_start3A_546 = tpu.memref_squeeze %dma_start3A_545 : memref<1x80x128xf32, #tpu.memory_space<vmem>> -> memref<80x128xf32, #tpu.memory_space<vmem>>
      %dma_start3A_547 = arith.constant 0 : i32
      %dma_start3A_548 = tpu.memref_slice %arg4[%add3A_540, %dma_start3A_547] : memref<320000x128xf32, #tpu.memory_space<hbm>> -> memref<80x128xf32, #tpu.memory_space<hbm>>
      %dma_start3A_549 = tpu.memref_slice %arg10[%dma_start3A_542] : memref<5x!tpu.dma_semaphore, #tpu.memory_space<semaphore_mem>> -> memref<1x!tpu.dma_semaphore, #tpu.memory_space<semaphore_mem>>
      %dma_start3A_550 = tpu.memref_squeeze %dma_start3A_549 : memref<1x!tpu.dma_semaphore, #tpu.memory_space<semaphore_mem>> -> memref<!tpu.dma_semaphore, #tpu.memory_space<semaphore_mem>>
      %dma_start3A_551 = arith.constant 0 : i32
      %dma_start3A_552 = tpu.memref_slice %arg4[%add3A_540, %dma_start3A_551] : memref<320000x128xf32, #tpu.memory_space<hbm>> -> memref<80x128xf32, #tpu.memory_space<hbm>>
      %dma_start3A_553 = arith.constant 0 : i32
      %dma_start3A_554 = arith.constant 0 : i32
      %dma_start3A_555 = tpu.memref_slice %arg8[%dma_start3A_541, %dma_start3A_553, %dma_start3A_554] : memref<5x80x128xf32, #tpu.memory_space<vmem>> -> memref<1x80x128xf32, #tpu.memory_space<vmem>>
      %dma_start3A_556 = tpu.memref_squeeze %dma_start3A_555 : memref<1x80x128xf32, #tpu.memory_space<vmem>> -> memref<80x128xf32, #tpu.memory_space<vmem>>
      tpu.enqueue_dma source(%dma_start3A_556 : memref<80x128xf32, #tpu.memory_space<vmem>>) target(%dma_start3A_552 : memref<80x128xf32, #tpu.memory_space<hbm>>) target_semaphore(%dma_start3A_550 : memref<!tpu.dma_semaphore, #tpu.memory_space<semaphore_mem>>)
      %dma_wait3A_557 = arith.constant 2 : i32
      %dma_wait3A_558 = arith.constant 2 : i32
      %dma_wait3A_559 = arith.constant 0 : i32
      %dma_wait3A_560 = arith.constant 0 : i32
      %dma_wait3A_561 = tpu.memref_slice %arg8[%dma_wait3A_557, %dma_wait3A_559, %dma_wait3A_560] : memref<5x80x128xf32, #tpu.memory_space<vmem>> -> memref<1x80x128xf32, #tpu.memory_space<vmem>>
      %dma_wait3A_562 = tpu.memref_squeeze %dma_wait3A_561 : memref<1x80x128xf32, #tpu.memory_space<vmem>> -> memref<80x128xf32, #tpu.memory_space<vmem>>
      %dma_wait3A_563 = tpu.memref_slice %arg6[%mul3A_438] : memref<10000xi32, #tpu.memory_space<vmem>> -> memref<80xi32, #tpu.memory_space<vmem>>
      %dma_wait3A_564 = arith.constant 0 : i32
      %dma_wait3A_565 = arith.constant 0 : i32
      %dma_wait3A_566 = tpu.memref_slice %arg7[%dma_wait3A_564, %dma_wait3A_565] : memref<1000x128xf32, #tpu.memory_space<vmem_shared>> -> memref<1000x128xf32, #tpu.memory_space<vmem_shared>>
      %dma_wait3A_567 = tpu.memref_slice %arg9[%dma_wait3A_558] : memref<5x!tpu.dma_semaphore, #tpu.memory_space<semaphore_mem>> -> memref<1x!tpu.dma_semaphore, #tpu.memory_space<semaphore_mem>>
      %dma_wait3A_568 = tpu.memref_squeeze %dma_wait3A_567 : memref<1x!tpu.dma_semaphore, #tpu.memory_space<semaphore_mem>> -> memref<!tpu.dma_semaphore, #tpu.memory_space<semaphore_mem>>
      tpu.wait_indirect_dma semaphore(%dma_wait3A_568 : memref<!tpu.dma_semaphore, #tpu.memory_space<semaphore_mem>>) src(%dma_wait3A_566 : memref<1000x128xf32, #tpu.memory_space<vmem_shared>>) dst(%dma_wait3A_562 : memref<80x128xf32, #tpu.memory_space<vmem>>)
      %mul3A_569 = arith.constant 5 : i32
      %mul3A_570 = arith.muli %add3A_316, %mul3A_569 : i32
      %add3A_571 = arith.constant 2 : i32
      %add3A_572 = arith.addi %mul3A_570, %add3A_571 : i32
      %mul3A_573 = arith.constant 80 : i32
      %mul3A_574 = arith.muli %add3A_572, %mul3A_573 : i32
      %add3A_575 = arith.addi %mul3A_2, %mul3A_574 : i32
      %dma_start3A_576 = arith.constant 2 : i32
      %dma_start3A_577 = arith.constant 2 : i32
      %dma_start3A_578 = arith.constant 0 : i32
      %dma_start3A_579 = arith.constant 0 : i32
      %dma_start3A_580 = tpu.memref_slice %arg8[%dma_start3A_576, %dma_start3A_578, %dma_start3A_579] : memref<5x80x128xf32, #tpu.memory_space<vmem>> -> memref<1x80x128xf32, #tpu.memory_space<vmem>>
      %dma_start3A_581 = tpu.memref_squeeze %dma_start3A_580 : memref<1x80x128xf32, #tpu.memory_space<vmem>> -> memref<80x128xf32, #tpu.memory_space<vmem>>
      %dma_start3A_582 = arith.constant 0 : i32
      %dma_start3A_583 = tpu.memref_slice %arg4[%add3A_575, %dma_start3A_582] : memref<320000x128xf32, #tpu.memory_space<hbm>> -> memref<80x128xf32, #tpu.memory_space<hbm>>
      %dma_start3A_584 = tpu.memref_slice %arg10[%dma_start3A_577] : memref<5x!tpu.dma_semaphore, #tpu.memory_space<semaphore_mem>> -> memref<1x!tpu.dma_semaphore, #tpu.memory_space<semaphore_mem>>
      %dma_start3A_585 = tpu.memref_squeeze %dma_start3A_584 : memref<1x!tpu.dma_semaphore, #tpu.memory_space<semaphore_mem>> -> memref<!tpu.dma_semaphore, #tpu.memory_space<semaphore_mem>>
      %dma_start3A_586 = arith.constant 0 : i32
      %dma_start3A_587 = tpu.memref_slice %arg4[%add3A_575, %dma_start3A_586] : memref<320000x128xf32, #tpu.memory_space<hbm>> -> memref<80x128xf32, #tpu.memory_space<hbm>>
      %dma_start3A_588 = arith.constant 0 : i32
      %dma_start3A_589 = arith.constant 0 : i32
      %dma_start3A_590 = tpu.memref_slice %arg8[%dma_start3A_576, %dma_start3A_588, %dma_start3A_589] : memref<5x80x128xf32, #tpu.memory_space<vmem>> -> memref<1x80x128xf32, #tpu.memory_space<vmem>>
      %dma_start3A_591 = tpu.memref_squeeze %dma_start3A_590 : memref<1x80x128xf32, #tpu.memory_space<vmem>> -> memref<80x128xf32, #tpu.memory_space<vmem>>
      tpu.enqueue_dma source(%dma_start3A_591 : memref<80x128xf32, #tpu.memory_space<vmem>>) target(%dma_start3A_587 : memref<80x128xf32, #tpu.memory_space<hbm>>) target_semaphore(%dma_start3A_585 : memref<!tpu.dma_semaphore, #tpu.memory_space<semaphore_mem>>)
      %dma_wait3A_592 = arith.constant 3 : i32
      %dma_wait3A_593 = arith.constant 3 : i32
      %dma_wait3A_594 = arith.constant 0 : i32
      %dma_wait3A_595 = arith.constant 0 : i32
      %dma_wait3A_596 = tpu.memref_slice %arg8[%dma_wait3A_592, %dma_wait3A_594, %dma_wait3A_595] : memref<5x80x128xf32, #tpu.memory_space<vmem>> -> memref<1x80x128xf32, #tpu.memory_space<vmem>>
      %dma_wait3A_597 = tpu.memref_squeeze %dma_wait3A_596 : memref<1x80x128xf32, #tpu.memory_space<vmem>> -> memref<80x128xf32, #tpu.memory_space<vmem>>
      %dma_wait3A_598 = tpu.memref_slice %arg6[%mul3A_456] : memref<10000xi32, #tpu.memory_space<vmem>> -> memref<80xi32, #tpu.memory_space<vmem>>
      %dma_wait3A_599 = arith.constant 0 : i32
      %dma_wait3A_600 = arith.constant 0 : i32
      %dma_wait3A_601 = tpu.memref_slice %arg7[%dma_wait3A_599, %dma_wait3A_600] : memref<1000x128xf32, #tpu.memory_space<vmem_shared>> -> memref<1000x128xf32, #tpu.memory_space<vmem_shared>>
      %dma_wait3A_602 = tpu.memref_slice %arg9[%dma_wait3A_593] : memref<5x!tpu.dma_semaphore, #tpu.memory_space<semaphore_mem>> -> memref<1x!tpu.dma_semaphore, #tpu.memory_space<semaphore_mem>>
      %dma_wait3A_603 = tpu.memref_squeeze %dma_wait3A_602 : memref<1x!tpu.dma_semaphore, #tpu.memory_space<semaphore_mem>> -> memref<!tpu.dma_semaphore, #tpu.memory_space<semaphore_mem>>
      tpu.wait_indirect_dma semaphore(%dma_wait3A_603 : memref<!tpu.dma_semaphore, #tpu.memory_space<semaphore_mem>>) src(%dma_wait3A_601 : memref<1000x128xf32, #tpu.memory_space<vmem_shared>>) dst(%dma_wait3A_597 : memref<80x128xf32, #tpu.memory_space<vmem>>)
      %mul3A_604 = arith.constant 5 : i32
      %mul3A_605 = arith.muli %add3A_316, %mul3A_604 : i32
      %add3A_606 = arith.constant 3 : i32
      %add3A_607 = arith.addi %mul3A_605, %add3A_606 : i32
      %mul3A_608 = arith.constant 80 : i32
      %mul3A_609 = arith.muli %add3A_607, %mul3A_608 : i32
      %add3A_610 = arith.addi %mul3A_2, %mul3A_609 : i32
      %dma_start3A_611 = arith.constant 3 : i32
      %dma_start3A_612 = arith.constant 3 : i32
      %dma_start3A_613 = arith.constant 0 : i32
      %dma_start3A_614 = arith.constant 0 : i32
      %dma_start3A_615 = tpu.memref_slice %arg8[%dma_start3A_611, %dma_start3A_613, %dma_start3A_614] : memref<5x80x128xf32, #tpu.memory_space<vmem>> -> memref<1x80x128xf32, #tpu.memory_space<vmem>>
      %dma_start3A_616 = tpu.memref_squeeze %dma_start3A_615 : memref<1x80x128xf32, #tpu.memory_space<vmem>> -> memref<80x128xf32, #tpu.memory_space<vmem>>
      %dma_start3A_617 = arith.constant 0 : i32
      %dma_start3A_618 = tpu.memref_slice %arg4[%add3A_610, %dma_start3A_617] : memref<320000x128xf32, #tpu.memory_space<hbm>> -> memref<80x128xf32, #tpu.memory_space<hbm>>
      %dma_start3A_619 = tpu.memref_slice %arg10[%dma_start3A_612] : memref<5x!tpu.dma_semaphore, #tpu.memory_space<semaphore_mem>> -> memref<1x!tpu.dma_semaphore, #tpu.memory_space<semaphore_mem>>
      %dma_start3A_620 = tpu.memref_squeeze %dma_start3A_619 : memref<1x!tpu.dma_semaphore, #tpu.memory_space<semaphore_mem>> -> memref<!tpu.dma_semaphore, #tpu.memory_space<semaphore_mem>>
      %dma_start3A_621 = arith.constant 0 : i32
      %dma_start3A_622 = tpu.memref_slice %arg4[%add3A_610, %dma_start3A_621] : memref<320000x128xf32, #tpu.memory_space<hbm>> -> memref<80x128xf32, #tpu.memory_space<hbm>>
      %dma_start3A_623 = arith.constant 0 : i32
      %dma_start3A_624 = arith.constant 0 : i32
      %dma_start3A_625 = tpu.memref_slice %arg8[%dma_start3A_611, %dma_start3A_623, %dma_start3A_624] : memref<5x80x128xf32, #tpu.memory_space<vmem>> -> memref<1x80x128xf32, #tpu.memory_space<vmem>>
      %dma_start3A_626 = tpu.memref_squeeze %dma_start3A_625 : memref<1x80x128xf32, #tpu.memory_space<vmem>> -> memref<80x128xf32, #tpu.memory_space<vmem>>
      tpu.enqueue_dma source(%dma_start3A_626 : memref<80x128xf32, #tpu.memory_space<vmem>>) target(%dma_start3A_622 : memref<80x128xf32, #tpu.memory_space<hbm>>) target_semaphore(%dma_start3A_620 : memref<!tpu.dma_semaphore, #tpu.memory_space<semaphore_mem>>)
      %dma_wait3A_627 = arith.constant 4 : i32
      %dma_wait3A_628 = arith.constant 4 : i32
      %dma_wait3A_629 = arith.constant 0 : i32
      %dma_wait3A_630 = arith.constant 0 : i32
      %dma_wait3A_631 = tpu.memref_slice %arg8[%dma_wait3A_627, %dma_wait3A_629, %dma_wait3A_630] : memref<5x80x128xf32, #tpu.memory_space<vmem>> -> memref<1x80x128xf32, #tpu.memory_space<vmem>>
      %dma_wait3A_632 = tpu.memref_squeeze %dma_wait3A_631 : memref<1x80x128xf32, #tpu.memory_space<vmem>> -> memref<80x128xf32, #tpu.memory_space<vmem>>
      %dma_wait3A_633 = tpu.memref_slice %arg6[%mul3A_474] : memref<10000xi32, #tpu.memory_space<vmem>> -> memref<80xi32, #tpu.memory_space<vmem>>
      %dma_wait3A_634 = arith.constant 0 : i32
      %dma_wait3A_635 = arith.constant 0 : i32
      %dma_wait3A_636 = tpu.memref_slice %arg7[%dma_wait3A_634, %dma_wait3A_635] : memref<1000x128xf32, #tpu.memory_space<vmem_shared>> -> memref<1000x128xf32, #tpu.memory_space<vmem_shared>>
      %dma_wait3A_637 = tpu.memref_slice %arg9[%dma_wait3A_628] : memref<5x!tpu.dma_semaphore, #tpu.memory_space<semaphore_mem>> -> memref<1x!tpu.dma_semaphore, #tpu.memory_space<semaphore_mem>>
      %dma_wait3A_638 = tpu.memref_squeeze %dma_wait3A_637 : memref<1x!tpu.dma_semaphore, #tpu.memory_space<semaphore_mem>> -> memref<!tpu.dma_semaphore, #tpu.memory_space<semaphore_mem>>
      tpu.wait_indirect_dma semaphore(%dma_wait3A_638 : memref<!tpu.dma_semaphore, #tpu.memory_space<semaphore_mem>>) src(%dma_wait3A_636 : memref<1000x128xf32, #tpu.memory_space<vmem_shared>>) dst(%dma_wait3A_632 : memref<80x128xf32, #tpu.memory_space<vmem>>)
      %mul3A_639 = arith.constant 5 : i32
      %mul3A_640 = arith.muli %add3A_316, %mul3A_639 : i32
      %add3A_641 = arith.constant 4 : i32
      %add3A_642 = arith.addi %mul3A_640, %add3A_641 : i32
      %mul3A_643 = arith.constant 80 : i32
      %mul3A_644 = arith.muli %add3A_642, %mul3A_643 : i32
      %add3A_645 = arith.addi %mul3A_2, %mul3A_644 : i32
      %dma_start3A_646 = arith.constant 4 : i32
      %dma_start3A_647 = arith.constant 4 : i32
      %dma_start3A_648 = arith.constant 0 : i32
      %dma_start3A_649 = arith.constant 0 : i32
      %dma_start3A_650 = tpu.memref_slice %arg8[%dma_start3A_646, %dma_start3A_648, %dma_start3A_649] : memref<5x80x128xf32, #tpu.memory_space<vmem>> -> memref<1x80x128xf32, #tpu.memory_space<vmem>>
      %dma_start3A_651 = tpu.memref_squeeze %dma_start3A_650 : memref<1x80x128xf32, #tpu.memory_space<vmem>> -> memref<80x128xf32, #tpu.memory_space<vmem>>
      %dma_start3A_652 = arith.constant 0 : i32
      %dma_start3A_653 = tpu.memref_slice %arg4[%add3A_645, %dma_start3A_652] : memref<320000x128xf32, #tpu.memory_space<hbm>> -> memref<80x128xf32, #tpu.memory_space<hbm>>
      %dma_start3A_654 = tpu.memref_slice %arg10[%dma_start3A_647] : memref<5x!tpu.dma_semaphore, #tpu.memory_space<semaphore_mem>> -> memref<1x!tpu.dma_semaphore, #tpu.memory_space<semaphore_mem>>
      %dma_start3A_655 = tpu.memref_squeeze %dma_start3A_654 : memref<1x!tpu.dma_semaphore, #tpu.memory_space<semaphore_mem>> -> memref<!tpu.dma_semaphore, #tpu.memory_space<semaphore_mem>>
      %dma_start3A_656 = arith.constant 0 : i32
      %dma_start3A_657 = tpu.memref_slice %arg4[%add3A_645, %dma_start3A_656] : memref<320000x128xf32, #tpu.memory_space<hbm>> -> memref<80x128xf32, #tpu.memory_space<hbm>>
      %dma_start3A_658 = arith.constant 0 : i32
      %dma_start3A_659 = arith.constant 0 : i32
      %dma_start3A_660 = tpu.memref_slice %arg8[%dma_start3A_646, %dma_start3A_658, %dma_start3A_659] : memref<5x80x128xf32, #tpu.memory_space<vmem>> -> memref<1x80x128xf32, #tpu.memory_space<vmem>>
      %dma_start3A_661 = tpu.memref_squeeze %dma_start3A_660 : memref<1x80x128xf32, #tpu.memory_space<vmem>> -> memref<80x128xf32, #tpu.memory_space<vmem>>
      tpu.enqueue_dma source(%dma_start3A_661 : memref<80x128xf32, #tpu.memory_space<vmem>>) target(%dma_start3A_657 : memref<80x128xf32, #tpu.memory_space<hbm>>) target_semaphore(%dma_start3A_655 : memref<!tpu.dma_semaphore, #tpu.memory_space<semaphore_mem>>)
    }
    %scan3A_231 = arith.constant 24 : i32
    %dma_wait3A_232 = arith.constant 0 : i32
    %dma_wait3A_233 = arith.constant 0 : i32
    %dma_wait3A_234 = arith.constant 0 : i32
    %dma_wait3A_235 = arith.constant 0 : i32
    %dma_wait3A_236 = tpu.memref_slice %arg8[%dma_wait3A_232, %dma_wait3A_234, %dma_wait3A_235] : memref<5x80x128xf32, #tpu.memory_space<vmem>> -> memref<1x80x128xf32, #tpu.memory_space<vmem>>
    %dma_wait3A_237 = tpu.memref_squeeze %dma_wait3A_236 : memref<1x80x128xf32, #tpu.memory_space<vmem>> -> memref<80x128xf32, #tpu.memory_space<vmem>>
    %dma_wait3A_238 = arith.constant 0 : i32
    %dma_wait3A_239 = tpu.memref_slice %arg4[%mul3A_2, %dma_wait3A_238] : memref<320000x128xf32, #tpu.memory_space<hbm>> -> memref<80x128xf32, #tpu.memory_space<hbm>>
    %dma_wait3A_240 = tpu.memref_slice %arg10[%dma_wait3A_233] : memref<5x!tpu.dma_semaphore, #tpu.memory_space<semaphore_mem>> -> memref<1x!tpu.dma_semaphore, #tpu.memory_space<semaphore_mem>>
    %dma_wait3A_241 = tpu.memref_squeeze %dma_wait3A_240 : memref<1x!tpu.dma_semaphore, #tpu.memory_space<semaphore_mem>> -> memref<!tpu.dma_semaphore, #tpu.memory_space<semaphore_mem>>
    %dma_wait3A_242 = arith.constant 0 : i32
    %dma_wait3A_243 = tpu.memref_slice %arg4[%mul3A_2, %dma_wait3A_242] : memref<320000x128xf32, #tpu.memory_space<hbm>> -> memref<80x128xf32, #tpu.memory_space<hbm>>
    %dma_wait3A_244 = arith.constant 0 : i32
    %dma_wait3A_245 = arith.constant 0 : i32
    %dma_wait3A_246 = tpu.memref_slice %arg8[%dma_wait3A_232, %dma_wait3A_244, %dma_wait3A_245] : memref<5x80x128xf32, #tpu.memory_space<vmem>> -> memref<1x80x128xf32, #tpu.memory_space<vmem>>
    %dma_wait3A_247 = tpu.memref_squeeze %dma_wait3A_246 : memref<1x80x128xf32, #tpu.memory_space<vmem>> -> memref<80x128xf32, #tpu.memory_space<vmem>>
    tpu.wait_dma2 semaphore(%dma_wait3A_241 : memref<!tpu.dma_semaphore, #tpu.memory_space<semaphore_mem>>) src(%dma_wait3A_247 : memref<80x128xf32, #tpu.memory_space<vmem>>) dst(%dma_wait3A_243 : memref<80x128xf32, #tpu.memory_space<hbm>>)
    %dma_wait3A_248 = arith.constant 1 : i32
    %dma_wait3A_249 = arith.constant 1 : i32
    %dma_wait3A_250 = arith.constant 0 : i32
    %dma_wait3A_251 = arith.constant 0 : i32
    %dma_wait3A_252 = tpu.memref_slice %arg8[%dma_wait3A_248, %dma_wait3A_250, %dma_wait3A_251] : memref<5x80x128xf32, #tpu.memory_space<vmem>> -> memref<1x80x128xf32, #tpu.memory_space<vmem>>
    %dma_wait3A_253 = tpu.memref_squeeze %dma_wait3A_252 : memref<1x80x128xf32, #tpu.memory_space<vmem>> -> memref<80x128xf32, #tpu.memory_space<vmem>>
    %dma_wait3A_254 = arith.constant 0 : i32
    %dma_wait3A_255 = tpu.memref_slice %arg4[%mul3A_2, %dma_wait3A_254] : memref<320000x128xf32, #tpu.memory_space<hbm>> -> memref<80x128xf32, #tpu.memory_space<hbm>>
    %dma_wait3A_256 = tpu.memref_slice %arg10[%dma_wait3A_249] : memref<5x!tpu.dma_semaphore, #tpu.memory_space<semaphore_mem>> -> memref<1x!tpu.dma_semaphore, #tpu.memory_space<semaphore_mem>>
    %dma_wait3A_257 = tpu.memref_squeeze %dma_wait3A_256 : memref<1x!tpu.dma_semaphore, #tpu.memory_space<semaphore_mem>> -> memref<!tpu.dma_semaphore, #tpu.memory_space<semaphore_mem>>
    %dma_wait3A_258 = arith.constant 0 : i32
    %dma_wait3A_259 = tpu.memref_slice %arg4[%mul3A_2, %dma_wait3A_258] : memref<320000x128xf32, #tpu.memory_space<hbm>> -> memref<80x128xf32, #tpu.memory_space<hbm>>
    %dma_wait3A_260 = arith.constant 0 : i32
    %dma_wait3A_261 = arith.constant 0 : i32
    %dma_wait3A_262 = tpu.memref_slice %arg8[%dma_wait3A_248, %dma_wait3A_260, %dma_wait3A_261] : memref<5x80x128xf32, #tpu.memory_space<vmem>> -> memref<1x80x128xf32, #tpu.memory_space<vmem>>
    %dma_wait3A_263 = tpu.memref_squeeze %dma_wait3A_262 : memref<1x80x128xf32, #tpu.memory_space<vmem>> -> memref<80x128xf32, #tpu.memory_space<vmem>>
    tpu.wait_dma2 semaphore(%dma_wait3A_257 : memref<!tpu.dma_semaphore, #tpu.memory_space<semaphore_mem>>) src(%dma_wait3A_263 : memref<80x128xf32, #tpu.memory_space<vmem>>) dst(%dma_wait3A_259 : memref<80x128xf32, #tpu.memory_space<hbm>>)
    %dma_wait3A_264 = arith.constant 2 : i32
    %dma_wait3A_265 = arith.constant 2 : i32
    %dma_wait3A_266 = arith.constant 0 : i32
    %dma_wait3A_267 = arith.constant 0 : i32
    %dma_wait3A_268 = tpu.memref_slice %arg8[%dma_wait3A_264, %dma_wait3A_266, %dma_wait3A_267] : memref<5x80x128xf32, #tpu.memory_space<vmem>> -> memref<1x80x128xf32, #tpu.memory_space<vmem>>
    %dma_wait3A_269 = tpu.memref_squeeze %dma_wait3A_268 : memref<1x80x128xf32, #tpu.memory_space<vmem>> -> memref<80x128xf32, #tpu.memory_space<vmem>>
    %dma_wait3A_270 = arith.constant 0 : i32
    %dma_wait3A_271 = tpu.memref_slice %arg4[%mul3A_2, %dma_wait3A_270] : memref<320000x128xf32, #tpu.memory_space<hbm>> -> memref<80x128xf32, #tpu.memory_space<hbm>>
    %dma_wait3A_272 = tpu.memref_slice %arg10[%dma_wait3A_265] : memref<5x!tpu.dma_semaphore, #tpu.memory_space<semaphore_mem>> -> memref<1x!tpu.dma_semaphore, #tpu.memory_space<semaphore_mem>>
    %dma_wait3A_273 = tpu.memref_squeeze %dma_wait3A_272 : memref<1x!tpu.dma_semaphore, #tpu.memory_space<semaphore_mem>> -> memref<!tpu.dma_semaphore, #tpu.memory_space<semaphore_mem>>
    %dma_wait3A_274 = arith.constant 0 : i32
    %dma_wait3A_275 = tpu.memref_slice %arg4[%mul3A_2, %dma_wait3A_274] : memref<320000x128xf32, #tpu.memory_space<hbm>> -> memref<80x128xf32, #tpu.memory_space<hbm>>
    %dma_wait3A_276 = arith.constant 0 : i32
    %dma_wait3A_277 = arith.constant 0 : i32
    %dma_wait3A_278 = tpu.memref_slice %arg8[%dma_wait3A_264, %dma_wait3A_276, %dma_wait3A_277] : memref<5x80x128xf32, #tpu.memory_space<vmem>> -> memref<1x80x128xf32, #tpu.memory_space<vmem>>
    %dma_wait3A_279 = tpu.memref_squeeze %dma_wait3A_278 : memref<1x80x128xf32, #tpu.memory_space<vmem>> -> memref<80x128xf32, #tpu.memory_space<vmem>>
    tpu.wait_dma2 semaphore(%dma_wait3A_273 : memref<!tpu.dma_semaphore, #tpu.memory_space<semaphore_mem>>) src(%dma_wait3A_279 : memref<80x128xf32, #tpu.memory_space<vmem>>) dst(%dma_wait3A_275 : memref<80x128xf32, #tpu.memory_space<hbm>>)
    %dma_wait3A_280 = arith.constant 3 : i32
    %dma_wait3A_281 = arith.constant 3 : i32
    %dma_wait3A_282 = arith.constant 0 : i32
    %dma_wait3A_283 = arith.constant 0 : i32
    %dma_wait3A_284 = tpu.memref_slice %arg8[%dma_wait3A_280, %dma_wait3A_282, %dma_wait3A_283] : memref<5x80x128xf32, #tpu.memory_space<vmem>> -> memref<1x80x128xf32, #tpu.memory_space<vmem>>
    %dma_wait3A_285 = tpu.memref_squeeze %dma_wait3A_284 : memref<1x80x128xf32, #tpu.memory_space<vmem>> -> memref<80x128xf32, #tpu.memory_space<vmem>>
    %dma_wait3A_286 = arith.constant 0 : i32
    %dma_wait3A_287 = tpu.memref_slice %arg4[%mul3A_2, %dma_wait3A_286] : memref<320000x128xf32, #tpu.memory_space<hbm>> -> memref<80x128xf32, #tpu.memory_space<hbm>>
    %dma_wait3A_288 = tpu.memref_slice %arg10[%dma_wait3A_281] : memref<5x!tpu.dma_semaphore, #tpu.memory_space<semaphore_mem>> -> memref<1x!tpu.dma_semaphore, #tpu.memory_space<semaphore_mem>>
    %dma_wait3A_289 = tpu.memref_squeeze %dma_wait3A_288 : memref<1x!tpu.dma_semaphore, #tpu.memory_space<semaphore_mem>> -> memref<!tpu.dma_semaphore, #tpu.memory_space<semaphore_mem>>
    %dma_wait3A_290 = arith.constant 0 : i32
    %dma_wait3A_291 = tpu.memref_slice %arg4[%mul3A_2, %dma_wait3A_290] : memref<320000x128xf32, #tpu.memory_space<hbm>> -> memref<80x128xf32, #tpu.memory_space<hbm>>
    %dma_wait3A_292 = arith.constant 0 : i32
    %dma_wait3A_293 = arith.constant 0 : i32
    %dma_wait3A_294 = tpu.memref_slice %arg8[%dma_wait3A_280, %dma_wait3A_292, %dma_wait3A_293] : memref<5x80x128xf32, #tpu.memory_space<vmem>> -> memref<1x80x128xf32, #tpu.memory_space<vmem>>
    %dma_wait3A_295 = tpu.memref_squeeze %dma_wait3A_294 : memref<1x80x128xf32, #tpu.memory_space<vmem>> -> memref<80x128xf32, #tpu.memory_space<vmem>>
    tpu.wait_dma2 semaphore(%dma_wait3A_289 : memref<!tpu.dma_semaphore, #tpu.memory_space<semaphore_mem>>) src(%dma_wait3A_295 : memref<80x128xf32, #tpu.memory_space<vmem>>) dst(%dma_wait3A_291 : memref<80x128xf32, #tpu.memory_space<hbm>>)
    %dma_wait3A_296 = arith.constant 4 : i32
    %dma_wait3A_297 = arith.constant 4 : i32
    %dma_wait3A_298 = arith.constant 0 : i32
    %dma_wait3A_299 = arith.constant 0 : i32
    %dma_wait3A_300 = tpu.memref_slice %arg8[%dma_wait3A_296, %dma_wait3A_298, %dma_wait3A_299] : memref<5x80x128xf32, #tpu.memory_space<vmem>> -> memref<1x80x128xf32, #tpu.memory_space<vmem>>
    %dma_wait3A_301 = tpu.memref_squeeze %dma_wait3A_300 : memref<1x80x128xf32, #tpu.memory_space<vmem>> -> memref<80x128xf32, #tpu.memory_space<vmem>>
    %dma_wait3A_302 = arith.constant 0 : i32
    %dma_wait3A_303 = tpu.memref_slice %arg4[%mul3A_2, %dma_wait3A_302] : memref<320000x128xf32, #tpu.memory_space<hbm>> -> memref<80x128xf32, #tpu.memory_space<hbm>>
    %dma_wait3A_304 = tpu.memref_slice %arg10[%dma_wait3A_297] : memref<5x!tpu.dma_semaphore, #tpu.memory_space<semaphore_mem>> -> memref<1x!tpu.dma_semaphore, #tpu.memory_space<semaphore_mem>>
    %dma_wait3A_305 = tpu.memref_squeeze %dma_wait3A_304 : memref<1x!tpu.dma_semaphore, #tpu.memory_space<semaphore_mem>> -> memref<!tpu.dma_semaphore, #tpu.memory_space<semaphore_mem>>
    %dma_wait3A_306 = arith.constant 0 : i32
    %dma_wait3A_307 = tpu.memref_slice %arg4[%mul3A_2, %dma_wait3A_306] : memref<320000x128xf32, #tpu.memory_space<hbm>> -> memref<80x128xf32, #tpu.memory_space<hbm>>
    %dma_wait3A_308 = arith.constant 0 : i32
    %dma_wait3A_309 = arith.constant 0 : i32
    %dma_wait3A_310 = tpu.memref_slice %arg8[%dma_wait3A_296, %dma_wait3A_308, %dma_wait3A_309] : memref<5x80x128xf32, #tpu.memory_space<vmem>> -> memref<1x80x128xf32, #tpu.memory_space<vmem>>
    %dma_wait3A_311 = tpu.memref_squeeze %dma_wait3A_310 : memref<1x80x128xf32, #tpu.memory_space<vmem>> -> memref<80x128xf32, #tpu.memory_space<vmem>>
    tpu.wait_dma2 semaphore(%dma_wait3A_305 : memref<!tpu.dma_semaphore, #tpu.memory_space<semaphore_mem>>) src(%dma_wait3A_311 : memref<80x128xf32, #tpu.memory_space<vmem>>) dst(%dma_wait3A_307 : memref<80x128xf32, #tpu.memory_space<hbm>>)
    return
  }
}

</mosaic_0001>

<sc_bundles>
// kernel: kernel.3.cloned.1.call-start
scs
__scs_entry_jumppad:
0x0: {  	(pc) =	sbr.rel $0x88, $3  }
0x1: {  	(tag) =	ssettag $0x0;
	lr =	simm.s32 $0x1  }
0x2: {  	[smem:$0x3F9F] =	sst lr;
	_ =	strace $0xD0000000  }
0x3: {  	_ = 	snop  }
0x4: {  	_ = 	snop  }
0x5: {  	_ = 	snop  }
0x6: {  	_ = 	snop  }
0x7: {  	_ = 	snop  }
__scs_overlays_trampoline_lowered:
0x8: {  	[smem:$0x3FAE] =	sst s0  }
0x9: {  	[smem:$0x3FAF] =	sst s1  }
0xa: {  	[smem:$0x3FB0] =	sst s2  }
0xb: {  	[smem:$0x3FB1] =	sst s3  }
0xc: {  	[smem:$0x3FB2] =	sst s4  }
0xd: {  	[smem:$0x3FB3] =	sst s5  }
0xe: {  	[smem:$0x3FB4] =	sst s6  }
0xf: {  	[smem:$0x3FB5] =	sst s7  }
0x10: {  	[smem:$0x3FB6] =	sst s8  }
0x11: {  	[smem:$0x3FB7] =	sst s9;
	s0 =	simm.s32 @!p0 $0x0  }
0x12: {  	s1 =	sld [smem:$0x3F9D];
	s0 =	simm.s32 @p0 $0x1  }
0x13: {  	[smem:$0x3FB8] =	sst s0;
	s0 =	simm.s32 @!p1 $0x0  }
0x14: {  	s2 =	sld [smem:$0x3F9C];
	s0 =	simm.s32 @p1 $0x1  }
0x15: {  	[smem:$0x3FB9] =	sst s0;
	s0 =	simm.s32 @!p2 $0x0  }
0x16: {  	s3 =	sld [smem:$0x3FDB];
	s0 =	simm.s32 @p2 $0x1  }
0x17: {  	s4 =	simm.s32 $0x1BF5;
	[smem:$0x3FBB] =	sst s0  }
0x18: {  	s0 =	sld [smem:$0x3F9E];
	_ =	swait.ge [sflag:s4], $0x0  }
0x19: {  	s7 =	sld [smem:$0x3F9F]  }
0x1a: {  	s8 =	sadd.s32 $0xFFFFE003, lr  }
0x1b: {  	s9 =	sadd.s32 $0xFFFFFEF7, lr;
	s5 =	simm.s32 $0xFFFFFFFF;
	p2 =	slt.u32 s8, $0xFFFFF086  }
0x1c: {  	p1 =	slt.u32 s9, $0xF7A;
	s5 =	simm.s32 @!p2 $0x0  }
0x1d: {  	s5 =	simm.s32 @p1 $0x1;
	p0 =	seq.s32 s7, s2  }
0x1e: {  	s7 =	smul.u32 @!p0 $0xF7A, s2;
	p2 =	seq.s32 @!p0 s5, $0x0  }
0x1f: {  	s9 =	smul.u32 $0xF7A, s1;
	s8 =	simm.s32 @!p0 $0x1BF5;
	p2 =	por !p2, p0  }
0x20: {  	[sflag:s8] =	ssyncset.s32 @!p0 $0xFFFFF086;
	s6 =	sadd.s32 @!p0 s3, s7;
	s7 =	simm.s32 @!p0 $0x108  }
0x21: {  	s3 =	sadd.s32 s3, s9;
	s6 =	sadd.s32 @!p0 $0x88, s6;
	s7 =	simm.s32 @p2 $0x1082  }
0x22: {  	[simem:s7], [sflag:s8] =	dma.local @!p0 [hbm:s6], $0xF7A  }
0x23: {  	s9 =	sor.u32 $0xD0000000, s2;
	s6 =	simm.s32 $0x108;
	_ =	swait.ge @!p0 [sflag:s8], $0x0  }
0x24: {  	s3 =	sadd.s32 $0x88, s3;
	s6 =	simm.s32 @!p1 $0x1082;
	[sflag:s4] =	ssyncset.s32 $0xFFFFF086  }
0x25: {  	[simem:s6], [sflag:s4] =	dma.local [hbm:s3], $0xF7A  }
0x26: {  	[smem:$0x3F9F] =	sst s1;
	(tag) =	ssettag s2;
	_ =	strace s9  }
0x27: {  	s1 =	sld [smem:$0x3FAF]  }
0x28: {  	s2 =	sld [smem:$0x3FB0]  }
0x29: {  	s4 =	sld [smem:$0x3FB2]  }
0x2a: {  	p0 =	seq.s32 s5, $0x0;
	s5 =	sld [smem:$0x3FB3]  }
0x2b: {  	s6 =	sld [smem:$0x3FB4]  }
0x2c: {  	s7 =	sld [smem:$0x3FB5]  }
0x2d: {  	s3 =	simm.s32 $0x108;
	s8 =	sld [smem:$0x3FB6]  }
0x2e: {  	s3 =	simm.s32 @!p0 $0x1082;
	s9 =	sld [smem:$0x3FB7]  }
0x2f: {  	lr =	sadd.s32 s0, s3;
	s0 =	sld [smem:$0x3FAE]  }
0x30: {  	s3 =	sld [smem:$0x3FB1]  }
0x31: {  	[smem:$0x3FBA] =	sst s10  }
0x32: {  	s10 =	sld [smem:$0x3FB8];
	_ =	sdelay $0x3  }
0x33: {  	p0 =	seq.s32 s10, $0x1;
	s10 =	sld [smem:$0x3FBA];
	_ =	sdelay $0x3  }
0x34: {  	[smem:$0x3FBA] =	sst s10  }
0x35: {  	s10 =	sld [smem:$0x3FB9];
	_ =	sdelay $0x3  }
0x36: {  	p1 =	seq.s32 s10, $0x1;
	s10 =	sld [smem:$0x3FBA];
	_ =	sdelay $0x3  }
0x37: {  	[smem:$0x3FBA] =	sst s10  }
0x38: {  	s10 =	sld [smem:$0x3FBB]  }
0x39: {  	_ = 	snop;
	(pc) =	sbr.ind lr, $3  }
0x3a: {  	_ = 	snop  }
0x3b: {  	_ = 	snop  }
0x3c: {  	p2 =	seq.s32 s10, $0x1;
	s10 =	sld [smem:$0x3FBA]  }
0x3d: {  	_ =	shalt  }
0x3e: {  	_ =	shalt  }
0x3f: {  	_ =	shalt  }
0x40: {  	_ =	shalt  }
0x41: {  	_ =	shalt  }
0x42: {  	_ =	shalt  }
0x43: {  	_ =	shalt  }
0x44: {  	_ =	shalt  }
0x45: {  	_ =	shalt  }
0x46: {  	_ =	shalt  }
0x47: {  	_ =	shalt  }
0x48: {  	_ =	shalt  }
0x49: {  	_ =	shalt  }
0x4a: {  	_ =	shalt  }
0x4b: {  	_ =	shalt  }
0x4c: {  	_ =	shalt  }
0x4d: {  	_ =	shalt  }
0x4e: {  	_ =	shalt  }
0x4f: {  	_ =	shalt  }
0x50: {  	_ =	shalt  }
0x51: {  	_ =	shalt  }
0x52: {  	_ =	shalt  }
0x53: {  	_ =	shalt  }
0x54: {  	_ =	shalt  }
0x55: {  	_ =	shalt  }
0x56: {  	_ =	shalt  }
0x57: {  	_ =	shalt  }
0x58: {  	_ =	shalt  }
0x59: {  	_ =	shalt  }
0x5a: {  	_ =	shalt  }
0x5b: {  	_ =	shalt  }
0x5c: {  	_ =	shalt  }
0x5d: {  	_ =	shalt  }
0x5e: {  	_ =	shalt  }
0x5f: {  	_ =	shalt  }
0x60: {  	_ =	shalt  }
0x61: {  	_ =	shalt  }
0x62: {  	_ =	shalt  }
0x63: {  	_ =	shalt  }
0x64: {  	_ =	shalt  }
0x65: {  	_ =	shalt  }
0x66: {  	_ =	shalt  }
0x67: {  	_ =	shalt  }
0x68: {  	_ =	shalt  }
0x69: {  	_ =	shalt  }
0x6a: {  	_ =	shalt  }
0x6b: {  	_ =	shalt  }
0x6c: {  	_ =	shalt  }
0x6d: {  	_ =	shalt  }
0x6e: {  	_ =	shalt  }
0x6f: {  	_ =	shalt  }
0x70: {  	_ =	shalt  }
0x71: {  	_ =	shalt  }
0x72: {  	_ =	shalt  }
0x73: {  	_ =	shalt  }
0x74: {  	_ =	shalt  }
0x75: {  	_ =	shalt  }
0x76: {  	_ =	shalt  }
0x77: {  	_ =	shalt  }
0x78: {  	_ =	shalt  }
0x79: {  	_ =	shalt  }
0x7a: {  	_ =	shalt  }
0x7b: {  	_ =	shalt  }
0x7c: {  	_ =	shalt  }
0x7d: {  	_ =	shalt  }
0x7e: {  	_ =	shalt  }
0x7f: {  	_ =	shalt  }
0x80: {  	_ =	shalt  }
0x81: {  	_ =	shalt  }
0x82: {  	_ =	shalt  }
0x83: {  	_ =	shalt  }
0x84: {  	_ =	shalt  }
0x85: {  	_ =	shalt  }
0x86: {  	_ =	shalt  }
0x87: {  	_ =	shalt  }
.Lfunc_end0:
.L_simem_size_0:
called_computation_lowered:
.L_overlay_start_0:
0x88: {  	s2 =	sld [smem:$0x3FD9]  }
0x89: {  	s3 =	sld [smem:$0x3FFE];
	_ =	sdelay $0x1  }
0x8a: {  	s1 =	srdreg.scid  }
0x8b: {  	s0 =	sand.u32 $0x1, s1  }
0x8c: {  	s18 =	sshll.u32 s0, $0xA;
	s2 =	sadd.s32 s3, s2  }
0x8d: {  	s2 =	sadd.s32 s2, s18  }
0x8e: {  	[smem:$0x3FC6] =	sst s2  }
0x8f: {  	_ = 	snop  }
0x90: {  	s2 =	sld [smem:$0x3FC9]  }
0x91: {  	s19 =	sld [smem:$0x3FC8]  }
0x92: {  	s4 =	sld [smem:$0x3FD0];
	(tm) =	ssettm $0x1  }
0x93: {  	s5 =	sld [smem:$0x3FFB];
	_ =	sdelay $0x3  }
0x94: {  	_ =	strace s5  }
0x95: {  	s5 =	sld [smem:$0x3FFC];
	_ =	sdelay $0x3  }
0x96: {  	_ =	strace s5  }
0x97: {  	s5 =	sld [smem:$0x3FFD];
	_ =	sdelay $0x3  }
0x98: {  	_ =	strace s5  }
0x99: {  	_ =	strace $0x8FFFFFFF  }
0x9a: {  	s20 =	sld [smem:$0x3FDB];
	_ =	sdelay $0x1  }
0x9b: {  	s6 =	simm.s32 $_scs_section_size  }
0x9c: {  	s7 =	simm.s32 $_size__tile_overlayer_lowered;
	s8 =	simm.s32 $_tile_overlayer_lowered  }
0x9d: {  	s23 =	simm.s32 $0x1BFF;
	s22 =	sshll.u32 s8, $0x1;
	s5 =	sadd.s32 s6, s20  }
0x9e: {  	s9 =	simm.s32 $0x0;
	s21 =	sshll.u32 s7, $0x1;
	s7 =	sadd.s32 s22, s5  }
0x9f: {  	[timem:s9], [sflag:s23] =	dma.local [hbm:s7], s21  }
0xa0: {  	_ =	swait.ge [sflag:s23], s21  }
0xa1: {  	s6 =	ssub.s32 $0x0, s21;
	[sflag:s23] =	ssyncset.done $0x0  }
0xa2: {  	[sflag:s23] =	ssyncadd.s32 s6;
	_ =	sdelay $0x1  }
0xa3: {  	s24 =	simm.s32 $0x1B8B  }
0xa4: {  	_ =	swait.ge [sflag:s24], $0x1  }
0xa5: {  	[sflag:s24] =	ssyncset.done $0x0  }
0xa6: {  	s25 =	simm.s32 $0x1B8E;
	[sflag:s24] =	ssyncadd.s32 $0xFFFFFFFF  }
0xa7: {  	s26 =	simm.s32 $execute0_lowered;
	[smem:$0x3FD2] =	sst s25  }
0xa8: {  	s6 =	sshll.u32 s26, $0x1;
	_ =	strace $0x80000046;
	[dreg:$0x1] =	wrdreg $0xFFFFFFFF  }
0xa9: {  	s28 =	simm.s32 $_size_execute0_lowered;
	s5 =	sadd.s32 s5, s6;
	[dreg:$0x0] =	wrdreg $0x0  }
0xaa: {  	s6 =	sshll.u32 s28, $0x1;
	[dreg:$0x2] =	wrdreg s5  }
0xab: {  	[dreg:$0x3] =	wrdreg s6  }
0xac: {  	[dreg:$0x4] =	wrdreg $0xC0  }
0xad: {  	_ =	task [dreg:s9], $0x5FFFF  }
0xae: {  	[dreg:$0x1] =	wrdreg $0xFFFFFFFF  }
0xaf: {  	[dreg:$0x0] =	wrdreg $0x60  }
0xb0: {  	[dreg:$0x2] =	wrdreg s2  }
0xb1: {  	[dreg:$0x3] =	wrdreg s19  }
0xb2: {  	[dreg:$0x4] =	wrdreg s4  }
0xb3: {  	[dreg:$0x5] =	wrdreg $0x4F000  }
0xb4: {  	[dreg:$0x6] =	wrdreg $0x9  }
0xb5: {  	_ =	task.clear_ibuf [dreg:s9], $0x7FFFF;
	_ =	strace $0x90000046  }
0xb6: {  	s29 =	simm.s32 $0x9;
	_ =	strace $0x80000048  }
0xb7: {  	_ =	swait.ge [sflag:s29], $0x1  }
0xb8: {  	[sflag:s29] =	ssyncadd.s32 $0xFFFFFFFF  }
0xb9: {  	_ =	strace $0x90000048  }
0xba: {  	_ =	sfence  }
0xbb: {  	s30 =	sld [smem:$0x0];
	_ =	sdelay $0x2  }
0xbc: {  	s31 =	sshll.u32 s1, $0xD;
	s1 =	sshrl.u32 s1, $0x2  }
0xbd: {  	s3 =	sand.u32 $0x4000, s31;
	s1 =	sadd.s32 s1, s30  }
0xbe: {  	s0 =	sor.u32 s3, s0;
	s1 =	sshll.u32 s1, $0x11  }
0xbf: {  	s0 =	sor.u32 s1, s0  }
0xc0: {  	s0 =	sadd.s32 $0x8F2B, s0  }
0xc1: {  	[sflag:s0] =	ssyncadd.remote.s32 $0x1  }
0xc2: {  	_ =	sfence.sel $0xFFFF  }
0xc3: {  	[dreg:$0x0] =	wrdreg $0xFFFFFFFF;
	(pc) =	sbr.abs _section_cstart, $3  }
0xc4: {  	[dreg:$0x1] =	wrdreg $0xFFFFFFFF  }
0xc5: {  	_ =	task.clear_ibuf [dreg:s9], $0x2FFFF;
	_ =	strace $0x9FFFFFFF  }
0xc6: {  	(tm) =	ssettm $0x7FFFFFFF  }
0xc7: {  	_ =	shalt  }
tec
execute0_lowered:
.L_overlay_start_1:
0x0: {  	(tag) =	ssettag $0x1  }
0x1: {  	s0 =	rddreg [dreg:$0x0]  }
0x2: {  	s1 =	rddreg [dreg:$0x2];
	s3 =	srdreg.scid  }
0x3: {  	s11 =	stileid.u32;
	s2 =	rddreg [dreg:$0x3]  }
0x4: {  	s13 =	simm.s32 $0x50;
	s15 =	simm.s32 $0x6E40;
	s17 =	simm.s32 $0x9640  }
0x5: {  	s19 =	simm.s32 $0xBE40;
	s21 =	simm.s32 $0xE640;
	s28 =	simm.s32 $0x4  }
0x6: {  	s29 =	simm.s32 $0x5;
	s30 =	simm.s32 $0x6;
	s31 =	simm.s32 $0x7  }
0x7: {  	s6 =	sand.u32 $0x1, s3;
	s4 =	sshll.u32 s11, $0x1;
	s25 =	smul.u32 $0x4E200, s11  }
0x8: {  	s14 =	simm.s32 $0xA;
	s4 =	sor.u32 s6, s4;
	s12 =	smul.u32 $0x27100, s6  }
0x9: {  	s16 =	simm.s32 $0x0;
	s3 =	simm.s32 $0x0;
	s7 =	smul.u32 $0x2710, s4  }
0xa: {  	p0 =	sne.s32 s11, $0x0;
	s5 =	ssub.s32 $0x2, s6;
	s9 =	smul.u32 $0x138800, s4  }
0xb: {  	[smem:$0x7FF] =	sst s3;
	s8 =	sshrl.u32 s5, $0x1;
	s23 =	smul.u32 $0x27100, s4  }
0xc: {  	s11 =	sshrl.u32 @!p0 s2, $0x3;
	_ =	strace $0x80000047;
	s10 =	ssub.s32 s5, s8  }
0xd: {  	s22 =	sshrl.u32 s7, $0x3;
	s24 =	sshrl.u32 s9, $0x3;
	s5 =	sadd.s32 s1, s23  }
0xe: {  	s10 =	smax.u32 s10, $0x1;
	s23 =	simm.s32 $0x10E40;
	s0 =	sadd.s32 s0, s22  }
0xf: {  	[dreg:$0x6] =	wrdreg s0;
	s0 =	sadd.s32 s1, s24;
	s1 =	sadd.s32 s25, s1  }
0x10: {  	s24 =	simm.s32 $0x1;
	s25 =	simm.s32 $0x2;
	s6 =	sadd.s32 $0x500, s0  }
0x11: {  	s7 =	sadd.s32 $0xA00, s0;
	s8 =	sadd.s32 $0xF00, s0;
	s9 =	sadd.s32 $0x1400, s0  }
0x12: {  	s26 =	sadd.s32 s12, s1;
	s12 =	simm.s32 $0xB;
	s1 =	simm.s32 $0x8  }
0x13: {  	s0 =	simm.s32 $0x9;
	[dreg:$0x5] =	wrdreg s26;
	s26 =	simm.s32 $0x3  }
.LBB2_1:
0x14: {  	s18 =	simm.s32 @!p0 $0x1C0B;
	s4 =	rddreg [dreg:$0x1]  }
0x15: {  	[spmem:s11], [sflag:s18] =	dma.local @!p0 [hbm:s4], $0x3E80  }
0x16: {  	s18 =	simm.s32 @!p0 $0xB  }
0x17: {  	_ =	swait.ge @!p0 [sflag:s18], $0x3E80  }
0x18: {  	[sflag:s18] =	ssyncset.done @!p0 $0x0  }
0x19: {  	s22 =	rddreg [dreg:$0x6];
	[sflag:s18] =	ssyncadd.s32 @!p0 $0xFFFFC180  }
0x1a: {  	[tilespmem:s3], [sflag:$0xB] =	stream.linear.gather [hbm4b:s22+s3], $0x2710, $0x38;
	[tilespmem:$0x13640] =	vst v63  }
0x1b: {  	_ =	swait.ge [sflag:s12], $0x2710  }
0x1c: {  	[sflag:s12] =	ssyncset.done $0x0  }
0x1d: {  	s18 =	simm.s32 $0x0;
	[sflag:s12] =	ssyncadd.s32 $0xFFFFD8F0  }
0x1e: {  	v0 =	vld [tilespmem:s18+$0x0];
	_ =	sdelay $0x4  }
0x1f: {  	v0 =	vmul.f32 $9.990000000e+02, v0;
	_ =	sdelay $0x1  }
0x20: {  	s20 =	simm.s32 $0x10;
	v0 =	vtrunc.f32 v0  }
0x21: {  	v1 =	vcvt.f32.s32 v0;
	v0 =	vld [tilespmem:s20+$0x0];
	_ =	sdelay $0x3  }
0x22: {  	s22 =	simm.s32 $0x80;
	vm0 =	vgt.s32 v1, $0x0  }
.LBB2_2:
0x23: {  	s4 =	sshra.s32 s22, $0x2;
	p1 =	sne.s32 s22, $0x9C00;
	s22 =	sadd.s32 $0x40, s22;
	v2 =	vmul.f32 $9.990000000e+02, v0;
	v1 =	vnsel vm0, $0x0, v1  }
.Ltmp0:
0x24: {  	v0 =	vld [tilespmem:s4+$0x0];
	v1 =	vmin.u32 v1, $0x3E7;
	(pc) =	sbr.rel @p1 .LBB2_2-.Ltmp0, $3  }
0x25: {  	v2 =	vtrunc.f32 v2;
	[tilespmem:s18+$0x2780] =	vst v1;
	s18 =	smov.u32 s20;
	s20 =	smov.u32 s4  }
0x26: {  	v1 =	vcvt.f32.s32 v2;
	_ =	sdelay $0x1  }
0x27: {  	vm0 =	vgt.s32 v1, $0x0  }
0x28: {  	v0 =	vmul.f32 $9.990000000e+02, v0;
	_ =	sdelay $0x1  }
0x29: {  	v0 =	vtrunc.f32 v0  }
0x2a: {  	v0 =	vcvt.f32.s32 v0;
	_ =	sdelay $0x1  }
0x2b: {  	v1 =	vnsel vm0, $0x0, v1;
	vm15 =	vgt.s32 v0, $0x0  }
0x2c: {  	v1 =	vmin.u32 v1, $0x3E7;
	v0 =	vnsel vm15, $0x0, v0  }
0x2d: {  	[tilespmem:s18+$0x2780] =	vst v1;
	v0 =	vmin.u32 v0, $0x3E7  }
0x2e: {  	[tilespmem:s20+$0x2780] =	vst v0  }
0x2f: {  	s4 =	simm.s32 $0x2780;
	[bflag:$0x0] =	sbarrier.arrive $0xFFFF  }
0x30: {  	[tilespmem:s15], [sflag:$0x1] =	stream.indirect.gather [spmem:s2], $0x80, s4, s13, $0xb8;
	[tilespmem:$0x13640] =	vst v63  }
0x31: {  	s22 =	simm.s32 $0x27D0  }
0x32: {  	[tilespmem:s17], [sflag:$0x2] =	stream.indirect.gather [spmem:s2], $0x80, s22, s13, $0xb8;
	[tilespmem:$0x13640] =	vst v63  }
0x33: {  	s18 =	simm.s32 $0x2820  }
0x34: {  	[tilespmem:s19], [sflag:$0x3] =	stream.indirect.gather [spmem:s2], $0x80, s18, s13, $0xb8;
	[tilespmem:$0x13640] =	vst v63  }
0x35: {  	s20 =	simm.s32 $0x2870  }
0x36: {  	[tilespmem:s21], [sflag:$0x4] =	stream.indirect.gather [spmem:s2], $0x80, s20, s13, $0xb8;
	[tilespmem:$0x13640] =	vst v63  }
0x37: {  	s22 =	simm.s32 $0x28C0  }
0x38: {  	[tilespmem:s23], [sflag:$0x5] =	stream.indirect.gather [spmem:s2], $0x80, s22, s13, $0xb8;
	[tilespmem:$0x13640] =	vst v63  }
0x39: {  	_ =	swait.ge [sflag:s24], $0x2800  }
0x3a: {  	[sflag:s24] =	ssyncset.done $0x0  }
0x3b: {  	s18 =	simm.s32 $0x0;
	[sflag:s24] =	ssyncadd.s32 $0xFFFFD800  }
0x3c: {  	[hbm4b:s5+s18] =	stream.linear.scatter [tilespmem:s15], [sflag:$0x6], $0x2800, $0x38;
	[tilespmem:$0x13640] =	vst v63  }
0x3d: {  	_ =	swait.ge [sflag:s25], $0x2800  }
0x3e: {  	[sflag:s25] =	ssyncset.done $0x0  }
0x3f: {  	[sflag:s25] =	ssyncadd.s32 $0xFFFFD800  }
0x40: {  	[hbm4b:s6+s18] =	stream.linear.scatter [tilespmem:s17], [sflag:$0x7], $0x2800, $0x38;
	[tilespmem:$0x13640] =	vst v63  }
0x41: {  	_ =	swait.ge [sflag:s26], $0x2800  }
0x42: {  	[sflag:s26] =	ssyncset.done $0x0  }
0x43: {  	[sflag:s26] =	ssyncadd.s32 $0xFFFFD800  }
0x44: {  	[hbm4b:s7+s18] =	stream.linear.scatter [tilespmem:s19], [sflag:$0x8], $0x2800, $0x38;
	[tilespmem:$0x13640] =	vst v63  }
0x45: {  	_ =	swait.ge [sflag:s28], $0x2800  }
0x46: {  	[sflag:s28] =	ssyncset.done $0x0  }
0x47: {  	[sflag:s28] =	ssyncadd.s32 $0xFFFFD800  }
0x48: {  	[hbm4b:s8+s18] =	stream.linear.scatter [tilespmem:s21], [sflag:$0x9], $0x2800, $0x38;
	[tilespmem:$0x13640] =	vst v63  }
0x49: {  	_ =	swait.ge [sflag:s29], $0x2800  }
0x4a: {  	[sflag:s29] =	ssyncset.done $0x0  }
0x4b: {  	[sflag:s29] =	ssyncadd.s32 $0xFFFFD800  }
0x4c: {  	[hbm4b:s9+s18] =	stream.linear.scatter [tilespmem:s23], [sflag:$0xA], $0x2800, $0x38;
	[tilespmem:$0x13640] =	vst v63  }
0x4d: {  	_ =	swait.ge [sflag:s30], $0x2800  }
0x4e: {  	[sflag:s30] =	ssyncset.done $0x0  }
0x4f: {  	[sflag:s30] =	ssyncadd.s32 $0xFFFFD800  }
0x50: {  	_ =	swait.ge [sflag:s31], $0x2800  }
0x51: {  	[sflag:s31] =	ssyncset.done $0x0  }
0x52: {  	[sflag:s31] =	ssyncadd.s32 $0xFFFFD800  }
0x53: {  	_ =	swait.ge [sflag:s1], $0x2800  }
0x54: {  	[sflag:s1] =	ssyncset.done $0x0  }
0x55: {  	[sflag:s1] =	ssyncadd.s32 $0xFFFFD800  }
0x56: {  	_ =	swait.ge [sflag:s0], $0x2800  }
0x57: {  	[sflag:s0] =	ssyncset.done $0x0  }
0x58: {  	[sflag:s0] =	ssyncadd.s32 $0xFFFFD800  }
0x59: {  	_ =	swait.ge [sflag:s14], $0x2800  }
0x5a: {  	[sflag:s14] =	ssyncset.done $0x0  }
0x5b: {  	s20 =	simm.s32 $0x2910;
	[sflag:s14] =	ssyncadd.s32 $0xFFFFD800  }
0x5c: {  	[tilespmem:s15], [sflag:$0x1] =	stream.indirect.gather [spmem:s2], $0x80, s20, s13, $0xb8;
	[tilespmem:$0x13640] =	vst v63  }
0x5d: {  	s22 =	simm.s32 $0x2960  }
0x5e: {  	[tilespmem:s17], [sflag:$0x2] =	stream.indirect.gather [spmem:s2], $0x80, s22, s13, $0xb8;
	[tilespmem:$0x13640] =	vst v63  }
0x5f: {  	s18 =	simm.s32 $0x29B0  }
0x60: {  	[tilespmem:s19], [sflag:$0x3] =	stream.indirect.gather [spmem:s2], $0x80, s18, s13, $0xb8;
	[tilespmem:$0x13640] =	vst v63  }
0x61: {  	s20 =	simm.s32 $0x2A00  }
0x62: {  	[tilespmem:s21], [sflag:$0x4] =	stream.indirect.gather [spmem:s2], $0x80, s20, s13, $0xb8;
	[tilespmem:$0x13640] =	vst v63  }
0x63: {  	s22 =	simm.s32 $0x2A50  }
0x64: {  	[tilespmem:s23], [sflag:$0x5] =	stream.indirect.gather [spmem:s2], $0x80, s22, s13, $0xb8;
	[tilespmem:$0x13640] =	vst v63  }
0x65: {  	_ =	swait.ge [sflag:s24], $0x2800  }
0x66: {  	s18 =	rddreg [dreg:$0x5]  }
0x67: {  	[sflag:s24] =	ssyncset.done $0x0;
	s4 =	sadd.s32 $0x0, s18  }
0x68: {  	[sflag:s24] =	ssyncadd.s32 $0xFFFFD800;
	s20 =	sadd.s32 $0x1900, s4  }
0x69: {  	[hbm4b:s20+s3] =	stream.linear.scatter [tilespmem:s15], [sflag:$0x6], $0x2800, $0x38;
	[tilespmem:$0x13640] =	vst v63  }
0x6a: {  	_ =	swait.ge [sflag:s25], $0x2800  }
0x6b: {  	[sflag:s25] =	ssyncset.done $0x0  }
0x6c: {  	s22 =	sadd.s32 $0x1E00, s4;
	[sflag:s25] =	ssyncadd.s32 $0xFFFFD800  }
0x6d: {  	[hbm4b:s22+s3] =	stream.linear.scatter [tilespmem:s17], [sflag:$0x7], $0x2800, $0x38;
	[tilespmem:$0x13640] =	vst v63  }
0x6e: {  	_ =	swait.ge [sflag:s26], $0x2800  }
0x6f: {  	[sflag:s26] =	ssyncset.done $0x0  }
0x70: {  	s20 =	sadd.s32 $0x2300, s4;
	[sflag:s26] =	ssyncadd.s32 $0xFFFFD800  }
0x71: {  	[hbm4b:s20+s3] =	stream.linear.scatter [tilespmem:s19], [sflag:$0x8], $0x2800, $0x38;
	[tilespmem:$0x13640] =	vst v63  }
0x72: {  	_ =	swait.ge [sflag:s28], $0x2800  }
0x73: {  	[sflag:s28] =	ssyncset.done $0x0  }
0x74: {  	s22 =	sadd.s32 $0x2800, s4;
	[sflag:s28] =	ssyncadd.s32 $0xFFFFD800  }
0x75: {  	[hbm4b:s22+s3] =	stream.linear.scatter [tilespmem:s21], [sflag:$0x9], $0x2800, $0x38;
	[tilespmem:$0x13640] =	vst v63  }
0x76: {  	_ =	swait.ge [sflag:s29], $0x2800  }
0x77: {  	s18 =	simm.s32 $0x1900;
	[sflag:s29] =	ssyncset.done $0x0  }
0x78: {  	s20 =	simm.s32 $0x2BE0;
	s22 =	sadd.s32 $0x2D00, s4;
	[sflag:s29] =	ssyncadd.s32 $0xFFFFD800  }
.LBB2_4:
0x79: {  	[hbm4b:s22+s3] =	stream.linear.scatter [tilespmem:s23], [sflag:$0xA], $0x2800, $0x38;
	[tilespmem:$0x13640] =	vst v63  }
0x7a: {  	_ =	swait.ge [sflag:s30], $0x2800  }
0x7b: {  	[sflag:s30] =	ssyncset.done $0x0  }
0x7c: {  	[sflag:s30] =	ssyncadd.s32 $0xFFFFD800  }
0x7d: {  	_ =	swait.ge [sflag:s31], $0x2800  }
0x7e: {  	[sflag:s31] =	ssyncset.done $0x0  }
0x7f: {  	[sflag:s31] =	ssyncadd.s32 $0xFFFFD800  }
0x80: {  	_ =	swait.ge [sflag:s1], $0x2800  }
0x81: {  	[sflag:s1] =	ssyncset.done $0x0  }
0x82: {  	[sflag:s1] =	ssyncadd.s32 $0xFFFFD800  }
0x83: {  	_ =	swait.ge [sflag:s0], $0x2800  }
0x84: {  	[sflag:s0] =	ssyncset.done $0x0  }
0x85: {  	[sflag:s0] =	ssyncadd.s32 $0xFFFFD800  }
0x86: {  	_ =	swait.ge [sflag:s14], $0x2800  }
0x87: {  	[sflag:s14] =	ssyncset.done $0x0  }
0x88: {  	s22 =	sadd.s32 $0xFFFFFEC0, s20;
	[sflag:s14] =	ssyncadd.s32 $0xFFFFD800  }
0x89: {  	[tilespmem:s15], [sflag:$0x1] =	stream.indirect.gather [spmem:s2], $0x80, s22, s13, $0xb8;
	[tilespmem:$0x13640] =	vst v63  }
0x8a: {  	s22 =	sadd.s32 $0xFFFFFF10, s20  }
0x8b: {  	[tilespmem:s17], [sflag:$0x2] =	stream.indirect.gather [spmem:s2], $0x80, s22, s13, $0xb8;
	[tilespmem:$0x13640] =	vst v63  }
0x8c: {  	s22 =	sadd.s32 $0xFFFFFF60, s20  }
0x8d: {  	[tilespmem:s19], [sflag:$0x3] =	stream.indirect.gather [spmem:s2], $0x80, s22, s13, $0xb8;
	[tilespmem:$0x13640] =	vst v63  }
0x8e: {  	s22 =	sadd.s32 $0xFFFFFFB0, s20  }
0x8f: {  	[tilespmem:s21], [sflag:$0x4] =	stream.indirect.gather [spmem:s2], $0x80, s22, s13, $0xb8;
	[tilespmem:$0x13640] =	vst v63  }
0x90: {  	_ = 	snop  }
0x91: {  	[tilespmem:s23], [sflag:$0x5] =	stream.indirect.gather [spmem:s2], $0x80, s20, s13, $0xb8;
	[tilespmem:$0x13640] =	vst v63  }
0x92: {  	_ =	swait.ge [sflag:s24], $0x2800  }
0x93: {  	s4 =	smov.u32 s18;
	s22 =	rddreg [dreg:$0x5]  }
0x94: {  	[sflag:s24] =	ssyncset.done $0x0;
	s4 =	sadd.s32 s4, s22  }
0x95: {  	[sflag:s24] =	ssyncadd.s32 $0xFFFFD800;
	s22 =	sadd.s32 $0x1900, s4  }
0x96: {  	[hbm4b:s22+s3] =	stream.linear.scatter [tilespmem:s15], [sflag:$0x6], $0x2800, $0x38;
	[tilespmem:$0x13640] =	vst v63  }
0x97: {  	_ =	swait.ge [sflag:s25], $0x2800  }
0x98: {  	[sflag:s25] =	ssyncset.done $0x0  }
0x99: {  	s22 =	sadd.s32 $0x1E00, s4;
	[sflag:s25] =	ssyncadd.s32 $0xFFFFD800  }
0x9a: {  	[hbm4b:s22+s3] =	stream.linear.scatter [tilespmem:s17], [sflag:$0x7], $0x2800, $0x38;
	[tilespmem:$0x13640] =	vst v63  }
0x9b: {  	_ =	swait.ge [sflag:s26], $0x2800  }
0x9c: {  	[sflag:s26] =	ssyncset.done $0x0  }
0x9d: {  	s22 =	sadd.s32 $0x2300, s4;
	[sflag:s26] =	ssyncadd.s32 $0xFFFFD800  }
0x9e: {  	[hbm4b:s22+s3] =	stream.linear.scatter [tilespmem:s19], [sflag:$0x8], $0x2800, $0x38;
	[tilespmem:$0x13640] =	vst v63  }
0x9f: {  	_ =	swait.ge [sflag:s28], $0x2800  }
0xa0: {  	p1 =	sne.s32 s18, $0x23F00;
	[sflag:s28] =	ssyncset.done $0x0  }
.Ltmp1:
0xa1: {  	s22 =	sadd.s32 $0x2800, s4;
	[sflag:s28] =	ssyncadd.s32 $0xFFFFD800;
	(pc) =	sbr.rel @p1 .LBB2_4-.Ltmp1, $4  }
0xa2: {  	[hbm4b:s22+s3] =	stream.linear.scatter [tilespmem:s21], [sflag:$0x9], $0x2800, $0x38;
	[tilespmem:$0x13640] =	vst v63  }
0xa3: {  	_ =	swait.ge [sflag:s29], $0x2800  }
0xa4: {  	s18 =	sadd.s32 $0x1900, s18;
	[sflag:s29] =	ssyncset.done $0x0  }
0xa5: {  	s20 =	sadd.s32 $0x190, s20;
	s22 =	sadd.s32 $0x2D00, s4;
	[sflag:s29] =	ssyncadd.s32 $0xFFFFD800  }
0xa6: {  	[hbm4b:s22+s3] =	stream.linear.scatter [tilespmem:s23], [sflag:$0xA], $0x2800, $0x38;
	[tilespmem:$0x13640] =	vst v63  }
0xa7: {  	_ =	swait.ge [sflag:s30], $0x2800  }
0xa8: {  	[sflag:s30] =	ssyncset.done $0x0  }
0xa9: {  	[sflag:s30] =	ssyncadd.s32 $0xFFFFD800  }
0xaa: {  	_ =	swait.ge [sflag:s31], $0x2800  }
0xab: {  	[sflag:s31] =	ssyncset.done $0x0  }
0xac: {  	[sflag:s31] =	ssyncadd.s32 $0xFFFFD800  }
0xad: {  	_ =	swait.ge [sflag:s1], $0x2800  }
0xae: {  	[sflag:s1] =	ssyncset.done $0x0  }
0xaf: {  	s16 =	sadd.s32 $0x1, s16;
	[sflag:s1] =	ssyncadd.s32 $0xFFFFD800  }
0xb0: {  	p1 =	sne.s32 s16, s10;
	_ =	swait.ge [sflag:s0], $0x2800  }
.Ltmp2:
0xb1: {  	[sflag:s0] =	ssyncset.done $0x0;
	(pc) =	sbr.rel @p1 .LBB2_1-.Ltmp2, $4  }
0xb2: {  	[sflag:s0] =	ssyncadd.s32 $0xFFFFD800  }
0xb3: {  	_ =	swait.ge [sflag:s14], $0x2800  }
0xb4: {  	[sflag:s14] =	ssyncset.done $0x0  }
0xb5: {  	[sflag:s14] =	ssyncadd.s32 $0xFFFFD800  }
0xb6: {  	_ =	sfence.sel $0x180000  }
0xb7: {  	[bflag:$0x0] =	sbarrier.arrive $0xFFFF  }
0xb8: {  	_ =	strace $0x90000047  }
0xb9: {  	[bflag:$0x2] =	sbarrier.arrive $0xFFFF  }
0xba: {  	s0 =	rddreg [dreg:$0x4]  }
0xbb: {  	s0 =	sadd.s32 @!p0 $0x100000, s0  }
0xbc: {  	[sflag:s0] =	ssyncadd.tile.s32 @!p0 $0x1;
	_ =	shalt  }
.Lfunc_end2:
_tile_overlayer_lowered:
.L_overlay_start_2:
0xbd: {  	(tag) =	ssettag $0x2  }
0xbe: {  	s0 =	rddreg [dreg:$0x0];
	s2 =	stileid.u32  }
0xbf: {  	s1 =	rddreg [dreg:$0x1];
	p0 =	sne.s32 s2, $0x0  }
0xc0: {  	s3 =	rddreg [dreg:$0x2];
	[bflag:$0x3] =	sbarrier.arrive $0xFFFF;
	s2 =	simm.s32 @!p0 $0x1C0B  }
0xc1: {  	[timem:s3], [sflag:s2] =	dma.local @!p0 [hbm:s0], s1  }
0xc2: {  	s0 =	simm.s32 @!p0 $0xB  }
0xc3: {  	_ =	swait.ge @!p0 [sflag:s0], s1  }
0xc4: {  	s1 =	ssub.s32 @!p0 $0x0, s1;
	[sflag:s0] =	ssyncset.done @!p0 $0x0  }
0xc5: {  	[sflag:s0] =	ssyncadd.s32 @!p0 s1  }
0xc6: {  	[bflag:$0x3] =	sbarrier.arrive $0xFFFF  }
0xc7: {  	_ =	shalt  }

</sc_bundles>
